<compile_context>
chip_gen: v7x
topology: tpu7x:2x2x1
jax: 0.10.2.dev20260603
libtpu: 0.0.44.dev20260713+nightly
codegen_flags: <defaults>
</compile_context>

<pallas_src>
import functools

import jax
import jax.numpy as jnp
from jax import lax
from jax.experimental import pallas as pl
from jax.experimental.pallas import tpu as pltpu
from jax.experimental.pallas import tpu_sc as plsc

_BN = 2048
_BK = 2048

_SC_CORES = 2
_SC_SUBCORES = 16


def _make_argmin_body(k_cb, d, bk):
    k_blks = k_cb // bk
    grp = bk // 128

    def body(z_ref, cb_ref, idx_ref, wsq_ref):
        bn = z_ref.shape[0]
        @pl.when(pl.program_id(0) == 0)
        def _():
            cb2 = cb_ref[...]
            wsq_ref[...] = jnp.sum(cb2 ** 2, axis=1, keepdims=True).reshape(
                1, k_cb)
        zsq = jnp.sum(z_ref[...] ** 2, axis=1, keepdims=True)
        zm2 = z_ref[...] * -2.0
        gmin = jnp.full((bn, 128), jnp.inf, jnp.float32)
        gidx = jnp.zeros((bn, 128), jnp.float32)
        for k in range(k_blks):
            m = lax.dot_general(
                zm2, cb_ref[k * bk:(k + 1) * bk, :],
                dimension_numbers=(((1,), (1,)), ((), ())),
                preferred_element_type=jnp.float32)
            dist = (zsq + m) + wsq_ref[:, k * bk:(k + 1) * bk]
            for g in range(grp):
                dcol = dist[:, g * 128:(g + 1) * 128]
                lt = dcol < gmin
                gmin = jnp.where(lt, dcol, gmin)
                gidx = jnp.where(lt, jnp.float32(k * grp + g), gidx)
        cmin = jnp.min(gmin, axis=1, keepdims=True)
        lane = lax.broadcasted_iota(
            jnp.int32, (1, 128), 1).astype(jnp.float32)
        jv = jnp.min(jnp.where(gmin == cmin, gidx * 128.0 + lane,
                               jnp.float32(k_cb)),
                     axis=1, keepdims=True)
        idx_ref[...] = jv.astype(jnp.int32)

    return body


def _argmin_indices(z, codebook):
    n_tok, d = z.shape
    k_cb = codebook.shape[0]
    n_steps = n_tok // _BN
    return pl.pallas_call(
        _make_argmin_body(k_cb, d, _BK),
        grid=(n_steps,),
        in_specs=[
            pl.BlockSpec((_BN, d), lambda n: (n, 0)),
            pl.BlockSpec((k_cb, d), lambda n: (0, 0)),
        ],
        out_specs=pl.BlockSpec((_BN, 1), lambda n: (n, 0)),
        out_shape=jax.ShapeDtypeStruct((n_tok, 1), jnp.int32),
        scratch_shapes=[pltpu.VMEM((1, k_cb), jnp.float32)],
    )(z, codebook)


@functools.lru_cache(maxsize=None)
def _make_sc_gather(n_tok, k_cb, d):
    nw = _SC_CORES * _SC_SUBCORES
    b_per_w = n_tok // nw
    mesh = plsc.VectorSubcoreMesh(core_axis_name="c", subcore_axis_name="s")

    @functools.partial(
        pl.kernel,
        mesh=mesh,
        out_type=jax.ShapeDtypeStruct((n_tok, d), jnp.float32),
        scratch_types=[
            pltpu.VMEM((b_per_w,), jnp.int32),
            pltpu.VMEM((b_per_w // 2, d), jnp.float32),
            pltpu.VMEM((b_per_w // 2, d), jnp.float32),
            pltpu.SemaphoreType.DMA,
            pltpu.SemaphoreType.DMA,
        ],
    )
    def gather(table_hbm, idx_hbm, out_hbm, idx_v, rows_v0, rows_v1,
               sem0, sem1):
        wid = lax.axis_index("s") * _SC_CORES + lax.axis_index("c")
        base = wid * b_per_w
        h = b_per_w // 2
        pltpu.sync_copy(idx_hbm.at[pl.ds(base, b_per_w)], idx_v)
        c0 = pltpu.async_copy(table_hbm.at[idx_v.at[pl.ds(0, h)]],
                              rows_v0, sem0)
        c1 = pltpu.async_copy(table_hbm.at[idx_v.at[pl.ds(h, h)]],
                              rows_v1, sem1)
        c0.wait()
        pltpu.sync_copy(rows_v0, out_hbm.at[pl.ds(base, h)])
        c1.wait()
        pltpu.sync_copy(rows_v1, out_hbm.at[pl.ds(base + h, h)])

    return gather


def kernel(z, codebook):
    n_tok, d = z.shape
    k_cb = codebook.shape[0]
    z_flat = z.reshape(z.shape[0], -1)
    idx2d = _argmin_indices(z_flat, codebook)
    indices = idx2d.reshape(n_tok)
    z_q = _make_sc_gather(n_tok, k_cb, d)(codebook, indices)
    return (z_q, indices)

# --- scband reference (transcript-rebuilt; emitter-appended) ---
"""Pipeline reference for scband-vq-71940702208348 (READ-ONLY COPY).

The authoritative reference and input builder live on the scoring server;
editing this copy changes nothing except your own understanding.
"""

import jax, jax.numpy as jnp
import numpy as np

N = 4096
K = 8192
D = 256

def setup_inputs(seed: int = 0) -> dict:
    key = jax.random.key(seed)
    kz, kw = jax.random.split(key)
    z = jax.random.normal(kz, (N, D), dtype=jnp.float32)
    codebook = jax.random.uniform(kw, (K, D), dtype=jnp.float32, minval=-1.0 / K, maxval=1.0 / K)
    return {"z": z, "codebook": codebook}


def reference(z, codebook):
    # z_flat = z.view(B, -1); last dim must equal code_dim
    z_flat = z.reshape(z.shape[0], -1)
    # dist[i, j] = ||z_flat[i] - codebook[j]||^2, computed via the algebraic
    # expansion ||a-b||^2 = ||a||^2 - 2 a.b + ||b||^2 (identical math, avoids
    # materializing the [N, K, D] broadcast intermediate)
    z_sq = jnp.sum(z_flat ** 2, axis=1, keepdims=True)          # [N, 1]
    w_sq = jnp.sum(codebook ** 2, axis=1)[None, :]              # [1, K]
    dist = z_sq - 2.0 * (z_flat @ codebook.T) + w_sq            # [N, K]
    indices = jnp.argmin(dist, axis=1)                          # [N]
    z_q = jnp.take(codebook, indices, axis=0)                   # [N, D]
    return (z_q, indices)

if __name__ == "__main__":
    import jax
    _d = setup_inputs()
    print(jax.jit(kernel)(*tuple(_d.values())))

</pallas_src>

<mosaic_0001>
#map = affine_map<(d0, d1) -> (0, 0)>
#map1 = affine_map<(d0, d1) -> (0)>
module attributes {stable_mosaic.version = 14 : i64} {
  func.func @gather(%arg0: i32, %arg1: i32, %arg2: memref<8192x256xf32, #tpu.memory_space<hbm>>, %arg3: memref<4096xi32, #tpu.memory_space<hbm>>, %arg4: memref<4096x256xf32, #tpu.memory_space<hbm>>, %arg5: memref<128xi32, #tpu.memory_space<vmem>>, %arg6: memref<64x256xf32, #tpu.memory_space<vmem>>, %arg7: memref<64x256xf32, #tpu.memory_space<vmem>>, %arg8: memref<!tpu.dma_semaphore, #tpu.memory_space<semaphore_mem>>, %arg9: memref<!tpu.dma_semaphore, #tpu.memory_space<semaphore_mem>>) attributes {dimension_semantics = [#tpu.dimension_semantics<core_parallel>, #tpu.dimension_semantics<subcore_parallel>], iteration_bounds = array<i64: 2, 16>, scalar_prefetch = 0 : i64, scratch_operands = 5 : i64, tpu.core_type = #tpu.core_type<sc_vector_subcore>, window_params = [{transform_indices = #map}, {transform_indices = #map1}, {transform_indices = #map}]} {
    %mul3A = arith.constant 2 : i32
    %mul3A_0 = arith.muli %arg1, %mul3A : i32
    %add3A = arith.addi %mul3A_0, %arg0 : i32
    %mul3A_1 = arith.constant 128 : i32
    %mul3A_2 = arith.muli %add3A, %mul3A_1 : i32
    "tpu.region"() ({
      %run_scoped3A = tpu.sem_alloc : memref<!tpu.dma_semaphore, #tpu.memory_space<semaphore_mem>>
      %dma_start3A_23 = tpu.memref_slice %arg3[%mul3A_2] : memref<4096xi32, #tpu.memory_space<hbm>> -> memref<128xi32, #tpu.memory_space<hbm>>
      %dma_start3A_24 = tpu.memref_slice %arg3[%mul3A_2] : memref<4096xi32, #tpu.memory_space<hbm>> -> memref<128xi32, #tpu.memory_space<hbm>>
      tpu.enqueue_dma source(%dma_start3A_24 : memref<128xi32, #tpu.memory_space<hbm>>) target(%arg5 : memref<128xi32, #tpu.memory_space<vmem>>) target_semaphore(%run_scoped3A : memref<!tpu.dma_semaphore, #tpu.memory_space<semaphore_mem>>)
      %dma_wait3A_25 = tpu.memref_slice %arg3[%mul3A_2] : memref<4096xi32, #tpu.memory_space<hbm>> -> memref<128xi32, #tpu.memory_space<hbm>>
      %dma_wait3A_26 = tpu.memref_slice %arg3[%mul3A_2] : memref<4096xi32, #tpu.memory_space<hbm>> -> memref<128xi32, #tpu.memory_space<hbm>>
      tpu.wait_dma2 semaphore(%run_scoped3A : memref<!tpu.dma_semaphore, #tpu.memory_space<semaphore_mem>>) src(%dma_wait3A_26 : memref<128xi32, #tpu.memory_space<hbm>>) dst(%arg5 : memref<128xi32, #tpu.memory_space<vmem>>)
      tpu.yield
    }) : () -> ()
    %dma_start3A = arith.constant 0 : i32
    %dma_start3A_3 = tpu.memref_slice %arg5[%dma_start3A] : memref<128xi32, #tpu.memory_space<vmem>> -> memref<64xi32, #tpu.memory_space<vmem>>
    %dma_start3A_4 = arith.constant 0 : i32
    %dma_start3A_5 = arith.constant 0 : i32
    %dma_start3A_6 = tpu.memref_slice %arg2[%dma_start3A_4, %dma_start3A_5] : memref<8192x256xf32, #tpu.memory_space<hbm>> -> memref<8192x256xf32, #tpu.memory_space<hbm>>
    tpu.enqueue_indirect_dma source(%dma_start3A_6 : memref<8192x256xf32, #tpu.memory_space<hbm>>) target(%arg6 : memref<64x256xf32, #tpu.memory_space<vmem>>) offsets(%dma_start3A_3 : memref<64xi32, #tpu.memory_space<vmem>>) semaphore(%arg8 : memref<!tpu.dma_semaphore, #tpu.memory_space<semaphore_mem>>)
    %dma_start3A_7 = arith.constant 64 : i32
    %dma_start3A_8 = tpu.memref_slice %arg5[%dma_start3A_7] : memref<128xi32, #tpu.memory_space<vmem>> -> memref<64xi32, #tpu.memory_space<vmem>>
    %dma_start3A_9 = arith.constant 0 : i32
    %dma_start3A_10 = arith.constant 0 : i32
    %dma_start3A_11 = tpu.memref_slice %arg2[%dma_start3A_9, %dma_start3A_10] : memref<8192x256xf32, #tpu.memory_space<hbm>> -> memref<8192x256xf32, #tpu.memory_space<hbm>>
    tpu.enqueue_indirect_dma source(%dma_start3A_11 : memref<8192x256xf32, #tpu.memory_space<hbm>>) target(%arg7 : memref<64x256xf32, #tpu.memory_space<vmem>>) offsets(%dma_start3A_8 : memref<64xi32, #tpu.memory_space<vmem>>) semaphore(%arg9 : memref<!tpu.dma_semaphore, #tpu.memory_space<semaphore_mem>>)
    %dma_wait3A = arith.constant 0 : i32
    %dma_wait3A_12 = tpu.memref_slice %arg5[%dma_wait3A] : memref<128xi32, #tpu.memory_space<vmem>> -> memref<64xi32, #tpu.memory_space<vmem>>
    %dma_wait3A_13 = arith.constant 0 : i32
    %dma_wait3A_14 = arith.constant 0 : i32
    %dma_wait3A_15 = tpu.memref_slice %arg2[%dma_wait3A_13, %dma_wait3A_14] : memref<8192x256xf32, #tpu.memory_space<hbm>> -> memref<8192x256xf32, #tpu.memory_space<hbm>>
    tpu.wait_indirect_dma semaphore(%arg8 : memref<!tpu.dma_semaphore, #tpu.memory_space<semaphore_mem>>) src(%dma_wait3A_15 : memref<8192x256xf32, #tpu.memory_space<hbm>>) dst(%arg6 : memref<64x256xf32, #tpu.memory_space<vmem>>)
    "tpu.region"() ({
      %run_scoped3A = tpu.sem_alloc : memref<!tpu.dma_semaphore, #tpu.memory_space<semaphore_mem>>
      %dma_start3A_23 = arith.constant 0 : i32
      %dma_start3A_24 = tpu.memref_slice %arg4[%mul3A_2, %dma_start3A_23] : memref<4096x256xf32, #tpu.memory_space<hbm>> -> memref<64x256xf32, #tpu.memory_space<hbm>>
      %dma_start3A_25 = arith.constant 0 : i32
      %dma_start3A_26 = tpu.memref_slice %arg4[%mul3A_2, %dma_start3A_25] : memref<4096x256xf32, #tpu.memory_space<hbm>> -> memref<64x256xf32, #tpu.memory_space<hbm>>
      tpu.enqueue_dma source(%arg6 : memref<64x256xf32, #tpu.memory_space<vmem>>) target(%dma_start3A_26 : memref<64x256xf32, #tpu.memory_space<hbm>>) target_semaphore(%run_scoped3A : memref<!tpu.dma_semaphore, #tpu.memory_space<semaphore_mem>>)
      %dma_wait3A_27 = arith.constant 0 : i32
      %dma_wait3A_28 = tpu.memref_slice %arg4[%mul3A_2, %dma_wait3A_27] : memref<4096x256xf32, #tpu.memory_space<hbm>> -> memref<64x256xf32, #tpu.memory_space<hbm>>
      %dma_wait3A_29 = arith.constant 0 : i32
      %dma_wait3A_30 = tpu.memref_slice %arg4[%mul3A_2, %dma_wait3A_29] : memref<4096x256xf32, #tpu.memory_space<hbm>> -> memref<64x256xf32, #tpu.memory_space<hbm>>
      tpu.wait_dma2 semaphore(%run_scoped3A : memref<!tpu.dma_semaphore, #tpu.memory_space<semaphore_mem>>) src(%arg6 : memref<64x256xf32, #tpu.memory_space<vmem>>) dst(%dma_wait3A_30 : memref<64x256xf32, #tpu.memory_space<hbm>>)
      tpu.yield
    }) : () -> ()
    %dma_wait3A_16 = arith.constant 64 : i32
    %dma_wait3A_17 = tpu.memref_slice %arg5[%dma_wait3A_16] : memref<128xi32, #tpu.memory_space<vmem>> -> memref<64xi32, #tpu.memory_space<vmem>>
    %dma_wait3A_18 = arith.constant 0 : i32
    %dma_wait3A_19 = arith.constant 0 : i32
    %dma_wait3A_20 = tpu.memref_slice %arg2[%dma_wait3A_18, %dma_wait3A_19] : memref<8192x256xf32, #tpu.memory_space<hbm>> -> memref<8192x256xf32, #tpu.memory_space<hbm>>
    tpu.wait_indirect_dma semaphore(%arg9 : memref<!tpu.dma_semaphore, #tpu.memory_space<semaphore_mem>>) src(%dma_wait3A_20 : memref<8192x256xf32, #tpu.memory_space<hbm>>) dst(%arg7 : memref<64x256xf32, #tpu.memory_space<vmem>>)
    %add3A_21 = arith.constant 64 : i32
    %add3A_22 = arith.addi %mul3A_2, %add3A_21 : i32
    "tpu.region"() ({
      %run_scoped3A = tpu.sem_alloc : memref<!tpu.dma_semaphore, #tpu.memory_space<semaphore_mem>>
      %dma_start3A_23 = arith.constant 0 : i32
      %dma_start3A_24 = tpu.memref_slice %arg4[%add3A_22, %dma_start3A_23] : memref<4096x256xf32, #tpu.memory_space<hbm>> -> memref<64x256xf32, #tpu.memory_space<hbm>>
      %dma_start3A_25 = arith.constant 0 : i32
      %dma_start3A_26 = tpu.memref_slice %arg4[%add3A_22, %dma_start3A_25] : memref<4096x256xf32, #tpu.memory_space<hbm>> -> memref<64x256xf32, #tpu.memory_space<hbm>>
      tpu.enqueue_dma source(%arg7 : memref<64x256xf32, #tpu.memory_space<vmem>>) target(%dma_start3A_26 : memref<64x256xf32, #tpu.memory_space<hbm>>) target_semaphore(%run_scoped3A : memref<!tpu.dma_semaphore, #tpu.memory_space<semaphore_mem>>)
      %dma_wait3A_27 = arith.constant 0 : i32
      %dma_wait3A_28 = tpu.memref_slice %arg4[%add3A_22, %dma_wait3A_27] : memref<4096x256xf32, #tpu.memory_space<hbm>> -> memref<64x256xf32, #tpu.memory_space<hbm>>
      %dma_wait3A_29 = arith.constant 0 : i32
      %dma_wait3A_30 = tpu.memref_slice %arg4[%add3A_22, %dma_wait3A_29] : memref<4096x256xf32, #tpu.memory_space<hbm>> -> memref<64x256xf32, #tpu.memory_space<hbm>>
      tpu.wait_dma2 semaphore(%run_scoped3A : memref<!tpu.dma_semaphore, #tpu.memory_space<semaphore_mem>>) src(%arg7 : memref<64x256xf32, #tpu.memory_space<vmem>>) dst(%dma_wait3A_30 : memref<64x256xf32, #tpu.memory_space<hbm>>)
      tpu.yield
    }) : () -> ()
    return
  }
}

module attributes {stable_mosaic.version = 14 : i64} {
  func.func @body(%arg0: i32, %arg1: memref<2048x256xf32, #tpu.memory_space<vmem>>, %arg2: memref<8192x256xf32, #tpu.memory_space<vmem>>, %arg3: memref<2048x1xi32, #tpu.memory_space<vmem>>, %arg4: memref<1x8192xf32, #tpu.memory_space<vmem>>) attributes {dimension_semantics = [#tpu.dimension_semantics<arbitrary>], iteration_bounds = array<i64: 2>, scalar_prefetch = 0 : i64, scratch_operands = 1 : i64, tpu.core_type = #tpu.core_type<tc>, window_params = [{transform_indices = @transform_0, window_bounds = array<i64: 2048, 256>}, {pipeline_mode = #tpu.pipeline_mode<synchronous>, transform_indices = @transform_1, window_bounds = array<i64: 8192, 256>}, {transform_indices = @transform_2, window_bounds = array<i64: 2048, 1>}]} {
    %eq3A = arith.constant 0 : i32
    %eq3A_0 = arith.cmpi eq, %arg0, %eq3A : i32
    %convert_element_type3A = arith.extui %eq3A_0 : i1 to i32
    %cond3A = arith.constant 0 : i32
    %cond3A_1 = arith.cmpi ne, %convert_element_type3A, %cond3A : i32
    scf.if %cond3A_1 {
      %get3A_459 = arith.constant 0 : index
      %get3A_460 = arith.constant 0 : index
      %get3A_461 = vector.load %arg2[%get3A_459, %get3A_460] : memref<8192x256xf32, #tpu.memory_space<vmem>>, vector<8192x256xf32>
      %integer_pow3A_462 = arith.mulf %get3A_461, %get3A_461 : vector<8192x256xf32>
      %reduce_sum3A_463 = arith.constant dense<0.000000e+00> : vector<8192xf32>
      %reduce_sum3A_464 = vector.multi_reduction <add>, %integer_pow3A_462, %reduce_sum3A_463 [1] : vector<8192x256xf32> to vector<8192xf32>
      %broadcast_in_dim3A_465 = vector.shape_cast %reduce_sum3A_464 : vector<8192xf32> to vector<8192x1xf32>
      %reshape3A = vector.shape_cast %broadcast_in_dim3A_465 : vector<8192x1xf32> to vector<1x8192xf32>
      %swap3A_466 = arith.constant 0 : index
      %swap3A_467 = arith.constant 0 : index
      %swap3A_468 = vector.load %arg4[%swap3A_466, %swap3A_467] : memref<1x8192xf32, #tpu.memory_space<vmem>>, vector<1x8192xf32>
      tpu.vector_store %arg4[%swap3A_466, %swap3A_467], %reshape3A {strides = array<i32>} : memref<1x8192xf32, #tpu.memory_space<vmem>>, vector<1x8192xf32>,
    } else {
    }
    %get3A = arith.constant 0 : index
    %get3A_2 = arith.constant 0 : index
    %get3A_3 = vector.load %arg1[%get3A, %get3A_2] : memref<2048x256xf32, #tpu.memory_space<vmem>>, vector<2048x256xf32>
    %integer_pow3A = arith.mulf %get3A_3, %get3A_3 : vector<2048x256xf32>
    %reduce_sum3A = arith.constant dense<0.000000e+00> : vector<2048xf32>
    %reduce_sum3A_4 = vector.multi_reduction <add>, %integer_pow3A, %reduce_sum3A [1] : vector<2048x256xf32> to vector<2048xf32>
    %broadcast_in_dim3A = vector.shape_cast %reduce_sum3A_4 : vector<2048xf32> to vector<2048x1xf32>
    %get3A_5 = arith.constant 0 : index
    %get3A_6 = arith.constant 0 : index
    %get3A_7 = vector.load %arg1[%get3A_5, %get3A_6] : memref<2048x256xf32, #tpu.memory_space<vmem>>, vector<2048x256xf32>
    %mul3A = arith.constant -2.000000e+00 : f32
    %mul3A_8 = vector.broadcast %mul3A : f32 to vector<2048x256xf32>
    %mul3A_9 = arith.mulf %get3A_7, %mul3A_8 : vector<2048x256xf32>
    %broadcast_in_dim3A_10 = arith.constant 0x7F800000 : f32
    %broadcast_in_dim3A_11 = vector.broadcast %broadcast_in_dim3A_10 : f32 to vector<2048x128xf32>
    %broadcast_in_dim3A_12 = arith.constant 0.000000e+00 : f32
    %broadcast_in_dim3A_13 = vector.broadcast %broadcast_in_dim3A_12 : f32 to vector<2048x128xf32>
    %get3A_14 = arith.constant 0 : index
    %get3A_15 = arith.constant 0 : index
    %get3A_16 = vector.load %arg2[%get3A_14, %get3A_15] : memref<8192x256xf32, #tpu.memory_space<vmem>>, vector<2048x256xf32>
    %dot_general3A = arith.constant dense<0.000000e+00> : vector<2048x2048xf32>
    %dot_general3A_17 = tpu.matmul %mul3A_9, %get3A_16, %dot_general3A {dimension_numbers = #tpu.dot_dimension_numbers<[1], [1], [0], [0], [0, 0, 1, 0], [], []>, transpose_lhs_hint = false} : vector<2048x256xf32>, vector<2048x256xf32>, vector<2048x2048xf32> -> vector<2048x2048xf32>
    %add3A = vector.broadcast %broadcast_in_dim3A : vector<2048x1xf32> to vector<2048x2048xf32>
    %add3A_18 = arith.addf %add3A, %dot_general3A_17 : vector<2048x2048xf32>
    %get3A_19 = arith.constant 0 : index
    %get3A_20 = arith.constant 0 : index
    %get3A_21 = vector.load %arg4[%get3A_19, %get3A_20] : memref<1x8192xf32, #tpu.memory_space<vmem>>, vector<1x2048xf32>
    %add3A_22 = vector.broadcast %get3A_21 : vector<1x2048xf32> to vector<2048x2048xf32>
    %add3A_23 = arith.addf %add3A_18, %add3A_22 : vector<2048x2048xf32>
    %slice3A = vector.extract_strided_slice %add3A_23 {offsets = [0, 0], sizes = [2048, 128], strides = [1, 1]} : vector<2048x2048xf32> to vector<2048x128xf32>
    %lt3A = arith.cmpf olt, %slice3A, %broadcast_in_dim3A_11 : vector<2048x128xf32>
    %select_n3A = arith.select %lt3A, %slice3A, %broadcast_in_dim3A_11 : vector<2048x128xi1>, vector<2048x128xf32>
    %jit3A = arith.constant 0.000000e+00 : f32
    %broadcast_in_dim3A_24 = vector.broadcast %jit3A : f32 to vector<2048x128xf32>
    %select_n3A_25 = arith.select %lt3A, %broadcast_in_dim3A_24, %broadcast_in_dim3A_13 : vector<2048x128xi1>, vector<2048x128xf32>
    %slice3A_26 = vector.extract_strided_slice %add3A_23 {offsets = [0, 128], sizes = [2048, 128], strides = [1, 1]} : vector<2048x2048xf32> to vector<2048x128xf32>
    %lt3A_27 = arith.cmpf olt, %slice3A_26, %select_n3A : vector<2048x128xf32>
    %select_n3A_28 = arith.select %lt3A_27, %slice3A_26, %select_n3A : vector<2048x128xi1>, vector<2048x128xf32>
    %jit3A_29 = arith.constant 1.000000e+00 : f32
    %broadcast_in_dim3A_30 = vector.broadcast %jit3A_29 : f32 to vector<2048x128xf32>
    %select_n3A_31 = arith.select %lt3A_27, %broadcast_in_dim3A_30, %select_n3A_25 : vector<2048x128xi1>, vector<2048x128xf32>
    %slice3A_32 = vector.extract_strided_slice %add3A_23 {offsets = [0, 256], sizes = [2048, 128], strides = [1, 1]} : vector<2048x2048xf32> to vector<2048x128xf32>
    %lt3A_33 = arith.cmpf olt, %slice3A_32, %select_n3A_28 : vector<2048x128xf32>
    %select_n3A_34 = arith.select %lt3A_33, %slice3A_32, %select_n3A_28 : vector<2048x128xi1>, vector<2048x128xf32>
    %jit3A_35 = arith.constant 2.000000e+00 : f32
    %broadcast_in_dim3A_36 = vector.broadcast %jit3A_35 : f32 to vector<2048x128xf32>
    %select_n3A_37 = arith.select %lt3A_33, %broadcast_in_dim3A_36, %select_n3A_31 : vector<2048x128xi1>, vector<2048x128xf32>
    %slice3A_38 = vector.extract_strided_slice %add3A_23 {offsets = [0, 384], sizes = [2048, 128], strides = [1, 1]} : vector<2048x2048xf32> to vector<2048x128xf32>
    %lt3A_39 = arith.cmpf olt, %slice3A_38, %select_n3A_34 : vector<2048x128xf32>
    %select_n3A_40 = arith.select %lt3A_39, %slice3A_38, %select_n3A_34 : vector<2048x128xi1>, vector<2048x128xf32>
    %jit3A_41 = arith.constant 3.000000e+00 : f32
    %broadcast_in_dim3A_42 = vector.broadcast %jit3A_41 : f32 to vector<2048x128xf32>
    %select_n3A_43 = arith.select %lt3A_39, %broadcast_in_dim3A_42, %select_n3A_37 : vector<2048x128xi1>, vector<2048x128xf32>
    %slice3A_44 = vector.extract_strided_slice %add3A_23 {offsets = [0, 512], sizes = [2048, 128], strides = [1, 1]} : vector<2048x2048xf32> to vector<2048x128xf32>
    %lt3A_45 = arith.cmpf olt, %slice3A_44, %select_n3A_40 : vector<2048x128xf32>
    %select_n3A_46 = arith.select %lt3A_45, %slice3A_44, %select_n3A_40 : vector<2048x128xi1>, vector<2048x128xf32>
    %jit3A_47 = arith.constant 4.000000e+00 : f32
    %broadcast_in_dim3A_48 = vector.broadcast %jit3A_47 : f32 to vector<2048x128xf32>
    %select_n3A_49 = arith.select %lt3A_45, %broadcast_in_dim3A_48, %select_n3A_43 : vector<2048x128xi1>, vector<2048x128xf32>
    %slice3A_50 = vector.extract_strided_slice %add3A_23 {offsets = [0, 640], sizes = [2048, 128], strides = [1, 1]} : vector<2048x2048xf32> to vector<2048x128xf32>
    %lt3A_51 = arith.cmpf olt, %slice3A_50, %select_n3A_46 : vector<2048x128xf32>
    %select_n3A_52 = arith.select %lt3A_51, %slice3A_50, %select_n3A_46 : vector<2048x128xi1>, vector<2048x128xf32>
    %jit3A_53 = arith.constant 5.000000e+00 : f32
    %broadcast_in_dim3A_54 = vector.broadcast %jit3A_53 : f32 to vector<2048x128xf32>
    %select_n3A_55 = arith.select %lt3A_51, %broadcast_in_dim3A_54, %select_n3A_49 : vector<2048x128xi1>, vector<2048x128xf32>
    %slice3A_56 = vector.extract_strided_slice %add3A_23 {offsets = [0, 768], sizes = [2048, 128], strides = [1, 1]} : vector<2048x2048xf32> to vector<2048x128xf32>
    %lt3A_57 = arith.cmpf olt, %slice3A_56, %select_n3A_52 : vector<2048x128xf32>
    %select_n3A_58 = arith.select %lt3A_57, %slice3A_56, %select_n3A_52 : vector<2048x128xi1>, vector<2048x128xf32>
    %jit3A_59 = arith.constant 6.000000e+00 : f32
    %broadcast_in_dim3A_60 = vector.broadcast %jit3A_59 : f32 to vector<2048x128xf32>
    %select_n3A_61 = arith.select %lt3A_57, %broadcast_in_dim3A_60, %select_n3A_55 : vector<2048x128xi1>, vector<2048x128xf32>
    %slice3A_62 = vector.extract_strided_slice %add3A_23 {offsets = [0, 896], sizes = [2048, 128], strides = [1, 1]} : vector<2048x2048xf32> to vector<2048x128xf32>
    %lt3A_63 = arith.cmpf olt, %slice3A_62, %select_n3A_58 : vector<2048x128xf32>
    %select_n3A_64 = arith.select %lt3A_63, %slice3A_62, %select_n3A_58 : vector<2048x128xi1>, vector<2048x128xf32>
    %jit3A_65 = arith.constant 7.000000e+00 : f32
    %broadcast_in_dim3A_66 = vector.broadcast %jit3A_65 : f32 to vector<2048x128xf32>
    %select_n3A_67 = arith.select %lt3A_63, %broadcast_in_dim3A_66, %select_n3A_61 : vector<2048x128xi1>, vector<2048x128xf32>
    %slice3A_68 = vector.extract_strided_slice %add3A_23 {offsets = [0, 1024], sizes = [2048, 128], strides = [1, 1]} : vector<2048x2048xf32> to vector<2048x128xf32>
    %lt3A_69 = arith.cmpf olt, %slice3A_68, %select_n3A_64 : vector<2048x128xf32>
    %select_n3A_70 = arith.select %lt3A_69, %slice3A_68, %select_n3A_64 : vector<2048x128xi1>, vector<2048x128xf32>
    %jit3A_71 = arith.constant 8.000000e+00 : f32
    %broadcast_in_dim3A_72 = vector.broadcast %jit3A_71 : f32 to vector<2048x128xf32>
    %select_n3A_73 = arith.select %lt3A_69, %broadcast_in_dim3A_72, %select_n3A_67 : vector<2048x128xi1>, vector<2048x128xf32>
    %slice3A_74 = vector.extract_strided_slice %add3A_23 {offsets = [0, 1152], sizes = [2048, 128], strides = [1, 1]} : vector<2048x2048xf32> to vector<2048x128xf32>
    %lt3A_75 = arith.cmpf olt, %slice3A_74, %select_n3A_70 : vector<2048x128xf32>
    %select_n3A_76 = arith.select %lt3A_75, %slice3A_74, %select_n3A_70 : vector<2048x128xi1>, vector<2048x128xf32>
    %jit3A_77 = arith.constant 9.000000e+00 : f32
    %broadcast_in_dim3A_78 = vector.broadcast %jit3A_77 : f32 to vector<2048x128xf32>
    %select_n3A_79 = arith.select %lt3A_75, %broadcast_in_dim3A_78, %select_n3A_73 : vector<2048x128xi1>, vector<2048x128xf32>
    %slice3A_80 = vector.extract_strided_slice %add3A_23 {offsets = [0, 1280], sizes = [2048, 128], strides = [1, 1]} : vector<2048x2048xf32> to vector<2048x128xf32>
    %lt3A_81 = arith.cmpf olt, %slice3A_80, %select_n3A_76 : vector<2048x128xf32>
    %select_n3A_82 = arith.select %lt3A_81, %slice3A_80, %select_n3A_76 : vector<2048x128xi1>, vector<2048x128xf32>
    %jit3A_83 = arith.constant 1.000000e+01 : f32
    %broadcast_in_dim3A_84 = vector.broadcast %jit3A_83 : f32 to vector<2048x128xf32>
    %select_n3A_85 = arith.select %lt3A_81, %broadcast_in_dim3A_84, %select_n3A_79 : vector<2048x128xi1>, vector<2048x128xf32>
    %slice3A_86 = vector.extract_strided_slice %add3A_23 {offsets = [0, 1408], sizes = [2048, 128], strides = [1, 1]} : vector<2048x2048xf32> to vector<2048x128xf32>
    %lt3A_87 = arith.cmpf olt, %slice3A_86, %select_n3A_82 : vector<2048x128xf32>
    %select_n3A_88 = arith.select %lt3A_87, %slice3A_86, %select_n3A_82 : vector<2048x128xi1>, vector<2048x128xf32>
    %jit3A_89 = arith.constant 1.100000e+01 : f32
    %broadcast_in_dim3A_90 = vector.broadcast %jit3A_89 : f32 to vector<2048x128xf32>
    %select_n3A_91 = arith.select %lt3A_87, %broadcast_in_dim3A_90, %select_n3A_85 : vector<2048x128xi1>, vector<2048x128xf32>
    %slice3A_92 = vector.extract_strided_slice %add3A_23 {offsets = [0, 1536], sizes = [2048, 128], strides = [1, 1]} : vector<2048x2048xf32> to vector<2048x128xf32>
    %lt3A_93 = arith.cmpf olt, %slice3A_92, %select_n3A_88 : vector<2048x128xf32>
    %select_n3A_94 = arith.select %lt3A_93, %slice3A_92, %select_n3A_88 : vector<2048x128xi1>, vector<2048x128xf32>
    %jit3A_95 = arith.constant 1.200000e+01 : f32
    %broadcast_in_dim3A_96 = vector.broadcast %jit3A_95 : f32 to vector<2048x128xf32>
    %select_n3A_97 = arith.select %lt3A_93, %broadcast_in_dim3A_96, %select_n3A_91 : vector<2048x128xi1>, vector<2048x128xf32>
    %slice3A_98 = vector.extract_strided_slice %add3A_23 {offsets = [0, 1664], sizes = [2048, 128], strides = [1, 1]} : vector<2048x2048xf32> to vector<2048x128xf32>
    %lt3A_99 = arith.cmpf olt, %slice3A_98, %select_n3A_94 : vector<2048x128xf32>
    %select_n3A_100 = arith.select %lt3A_99, %slice3A_98, %select_n3A_94 : vector<2048x128xi1>, vector<2048x128xf32>
    %jit3A_101 = arith.constant 1.300000e+01 : f32
    %broadcast_in_dim3A_102 = vector.broadcast %jit3A_101 : f32 to vector<2048x128xf32>
    %select_n3A_103 = arith.select %lt3A_99, %broadcast_in_dim3A_102, %select_n3A_97 : vector<2048x128xi1>, vector<2048x128xf32>
    %slice3A_104 = vector.extract_strided_slice %add3A_23 {offsets = [0, 1792], sizes = [2048, 128], strides = [1, 1]} : vector<2048x2048xf32> to vector<2048x128xf32>
    %lt3A_105 = arith.cmpf olt, %slice3A_104, %select_n3A_100 : vector<2048x128xf32>
    %select_n3A_106 = arith.select %lt3A_105, %slice3A_104, %select_n3A_100 : vector<2048x128xi1>, vector<2048x128xf32>
    %jit3A_107 = arith.constant 1.400000e+01 : f32
    %broadcast_in_dim3A_108 = vector.broadcast %jit3A_107 : f32 to vector<2048x128xf32>
    %select_n3A_109 = arith.select %lt3A_105, %broadcast_in_dim3A_108, %select_n3A_103 : vector<2048x128xi1>, vector<2048x128xf32>
    %slice3A_110 = vector.extract_strided_slice %add3A_23 {offsets = [0, 1920], sizes = [2048, 128], strides = [1, 1]} : vector<2048x2048xf32> to vector<2048x128xf32>
    %lt3A_111 = arith.cmpf olt, %slice3A_110, %select_n3A_106 : vector<2048x128xf32>
    %select_n3A_112 = arith.select %lt3A_111, %slice3A_110, %select_n3A_106 : vector<2048x128xi1>, vector<2048x128xf32>
    %jit3A_113 = arith.constant 1.500000e+01 : f32
    %broadcast_in_dim3A_114 = vector.broadcast %jit3A_113 : f32 to vector<2048x128xf32>
    %select_n3A_115 = arith.select %lt3A_111, %broadcast_in_dim3A_114, %select_n3A_109 : vector<2048x128xi1>, vector<2048x128xf32>
    %get3A_116 = arith.constant 2048 : index
    %get3A_117 = arith.constant 0 : index
    %get3A_118 = vector.load %arg2[%get3A_116, %get3A_117] : memref<8192x256xf32, #tpu.memory_space<vmem>>, vector<2048x256xf32>
    %dot_general3A_119 = arith.constant dense<0.000000e+00> : vector<2048x2048xf32>
    %dot_general3A_120 = tpu.matmul %mul3A_9, %get3A_118, %dot_general3A_119 {dimension_numbers = #tpu.dot_dimension_numbers<[1], [1], [0], [0], [0, 0, 1, 0], [], []>, transpose_lhs_hint = false} : vector<2048x256xf32>, vector<2048x256xf32>, vector<2048x2048xf32> -> vector<2048x2048xf32>
    %add3A_121 = vector.broadcast %broadcast_in_dim3A : vector<2048x1xf32> to vector<2048x2048xf32>
    %add3A_122 = arith.addf %add3A_121, %dot_general3A_120 : vector<2048x2048xf32>
    %get3A_123 = arith.constant 0 : index
    %get3A_124 = arith.constant 2048 : index
    %get3A_125 = vector.load %arg4[%get3A_123, %get3A_124] : memref<1x8192xf32, #tpu.memory_space<vmem>>, vector<1x2048xf32>
    %add3A_126 = vector.broadcast %get3A_125 : vector<1x2048xf32> to vector<2048x2048xf32>
    %add3A_127 = arith.addf %add3A_122, %add3A_126 : vector<2048x2048xf32>
    %slice3A_128 = vector.extract_strided_slice %add3A_127 {offsets = [0, 0], sizes = [2048, 128], strides = [1, 1]} : vector<2048x2048xf32> to vector<2048x128xf32>
    %lt3A_129 = arith.cmpf olt, %slice3A_128, %select_n3A_112 : vector<2048x128xf32>
    %select_n3A_130 = arith.select %lt3A_129, %slice3A_128, %select_n3A_112 : vector<2048x128xi1>, vector<2048x128xf32>
    %jit3A_131 = arith.constant 1.600000e+01 : f32
    %broadcast_in_dim3A_132 = vector.broadcast %jit3A_131 : f32 to vector<2048x128xf32>
    %select_n3A_133 = arith.select %lt3A_129, %broadcast_in_dim3A_132, %select_n3A_115 : vector<2048x128xi1>, vector<2048x128xf32>
    %slice3A_134 = vector.extract_strided_slice %add3A_127 {offsets = [0, 128], sizes = [2048, 128], strides = [1, 1]} : vector<2048x2048xf32> to vector<2048x128xf32>
    %lt3A_135 = arith.cmpf olt, %slice3A_134, %select_n3A_130 : vector<2048x128xf32>
    %select_n3A_136 = arith.select %lt3A_135, %slice3A_134, %select_n3A_130 : vector<2048x128xi1>, vector<2048x128xf32>
    %jit3A_137 = arith.constant 1.700000e+01 : f32
    %broadcast_in_dim3A_138 = vector.broadcast %jit3A_137 : f32 to vector<2048x128xf32>
    %select_n3A_139 = arith.select %lt3A_135, %broadcast_in_dim3A_138, %select_n3A_133 : vector<2048x128xi1>, vector<2048x128xf32>
    %slice3A_140 = vector.extract_strided_slice %add3A_127 {offsets = [0, 256], sizes = [2048, 128], strides = [1, 1]} : vector<2048x2048xf32> to vector<2048x128xf32>
    %lt3A_141 = arith.cmpf olt, %slice3A_140, %select_n3A_136 : vector<2048x128xf32>
    %select_n3A_142 = arith.select %lt3A_141, %slice3A_140, %select_n3A_136 : vector<2048x128xi1>, vector<2048x128xf32>
    %jit3A_143 = arith.constant 1.800000e+01 : f32
    %broadcast_in_dim3A_144 = vector.broadcast %jit3A_143 : f32 to vector<2048x128xf32>
    %select_n3A_145 = arith.select %lt3A_141, %broadcast_in_dim3A_144, %select_n3A_139 : vector<2048x128xi1>, vector<2048x128xf32>
    %slice3A_146 = vector.extract_strided_slice %add3A_127 {offsets = [0, 384], sizes = [2048, 128], strides = [1, 1]} : vector<2048x2048xf32> to vector<2048x128xf32>
    %lt3A_147 = arith.cmpf olt, %slice3A_146, %select_n3A_142 : vector<2048x128xf32>
    %select_n3A_148 = arith.select %lt3A_147, %slice3A_146, %select_n3A_142 : vector<2048x128xi1>, vector<2048x128xf32>
    %jit3A_149 = arith.constant 1.900000e+01 : f32
    %broadcast_in_dim3A_150 = vector.broadcast %jit3A_149 : f32 to vector<2048x128xf32>
    %select_n3A_151 = arith.select %lt3A_147, %broadcast_in_dim3A_150, %select_n3A_145 : vector<2048x128xi1>, vector<2048x128xf32>
    %slice3A_152 = vector.extract_strided_slice %add3A_127 {offsets = [0, 512], sizes = [2048, 128], strides = [1, 1]} : vector<2048x2048xf32> to vector<2048x128xf32>
    %lt3A_153 = arith.cmpf olt, %slice3A_152, %select_n3A_148 : vector<2048x128xf32>
    %select_n3A_154 = arith.select %lt3A_153, %slice3A_152, %select_n3A_148 : vector<2048x128xi1>, vector<2048x128xf32>
    %jit3A_155 = arith.constant 2.000000e+01 : f32
    %broadcast_in_dim3A_156 = vector.broadcast %jit3A_155 : f32 to vector<2048x128xf32>
    %select_n3A_157 = arith.select %lt3A_153, %broadcast_in_dim3A_156, %select_n3A_151 : vector<2048x128xi1>, vector<2048x128xf32>
    %slice3A_158 = vector.extract_strided_slice %add3A_127 {offsets = [0, 640], sizes = [2048, 128], strides = [1, 1]} : vector<2048x2048xf32> to vector<2048x128xf32>
    %lt3A_159 = arith.cmpf olt, %slice3A_158, %select_n3A_154 : vector<2048x128xf32>
    %select_n3A_160 = arith.select %lt3A_159, %slice3A_158, %select_n3A_154 : vector<2048x128xi1>, vector<2048x128xf32>
    %jit3A_161 = arith.constant 2.100000e+01 : f32
    %broadcast_in_dim3A_162 = vector.broadcast %jit3A_161 : f32 to vector<2048x128xf32>
    %select_n3A_163 = arith.select %lt3A_159, %broadcast_in_dim3A_162, %select_n3A_157 : vector<2048x128xi1>, vector<2048x128xf32>
    %slice3A_164 = vector.extract_strided_slice %add3A_127 {offsets = [0, 768], sizes = [2048, 128], strides = [1, 1]} : vector<2048x2048xf32> to vector<2048x128xf32>
    %lt3A_165 = arith.cmpf olt, %slice3A_164, %select_n3A_160 : vector<2048x128xf32>
    %select_n3A_166 = arith.select %lt3A_165, %slice3A_164, %select_n3A_160 : vector<2048x128xi1>, vector<2048x128xf32>
    %jit3A_167 = arith.constant 2.200000e+01 : f32
    %broadcast_in_dim3A_168 = vector.broadcast %jit3A_167 : f32 to vector<2048x128xf32>
    %select_n3A_169 = arith.select %lt3A_165, %broadcast_in_dim3A_168, %select_n3A_163 : vector<2048x128xi1>, vector<2048x128xf32>
    %slice3A_170 = vector.extract_strided_slice %add3A_127 {offsets = [0, 896], sizes = [2048, 128], strides = [1, 1]} : vector<2048x2048xf32> to vector<2048x128xf32>
    %lt3A_171 = arith.cmpf olt, %slice3A_170, %select_n3A_166 : vector<2048x128xf32>
    %select_n3A_172 = arith.select %lt3A_171, %slice3A_170, %select_n3A_166 : vector<2048x128xi1>, vector<2048x128xf32>
    %jit3A_173 = arith.constant 2.300000e+01 : f32
    %broadcast_in_dim3A_174 = vector.broadcast %jit3A_173 : f32 to vector<2048x128xf32>
    %select_n3A_175 = arith.select %lt3A_171, %broadcast_in_dim3A_174, %select_n3A_169 : vector<2048x128xi1>, vector<2048x128xf32>
    %slice3A_176 = vector.extract_strided_slice %add3A_127 {offsets = [0, 1024], sizes = [2048, 128], strides = [1, 1]} : vector<2048x2048xf32> to vector<2048x128xf32>
    %lt3A_177 = arith.cmpf olt, %slice3A_176, %select_n3A_172 : vector<2048x128xf32>
    %select_n3A_178 = arith.select %lt3A_177, %slice3A_176, %select_n3A_172 : vector<2048x128xi1>, vector<2048x128xf32>
    %jit3A_179 = arith.constant 2.400000e+01 : f32
    %broadcast_in_dim3A_180 = vector.broadcast %jit3A_179 : f32 to vector<2048x128xf32>
    %select_n3A_181 = arith.select %lt3A_177, %broadcast_in_dim3A_180, %select_n3A_175 : vector<2048x128xi1>, vector<2048x128xf32>
    %slice3A_182 = vector.extract_strided_slice %add3A_127 {offsets = [0, 1152], sizes = [2048, 128], strides = [1, 1]} : vector<2048x2048xf32> to vector<2048x128xf32>
    %lt3A_183 = arith.cmpf olt, %slice3A_182, %select_n3A_178 : vector<2048x128xf32>
    %select_n3A_184 = arith.select %lt3A_183, %slice3A_182, %select_n3A_178 : vector<2048x128xi1>, vector<2048x128xf32>
    %jit3A_185 = arith.constant 2.500000e+01 : f32
    %broadcast_in_dim3A_186 = vector.broadcast %jit3A_185 : f32 to vector<2048x128xf32>
    %select_n3A_187 = arith.select %lt3A_183, %broadcast_in_dim3A_186, %select_n3A_181 : vector<2048x128xi1>, vector<2048x128xf32>
    %slice3A_188 = vector.extract_strided_slice %add3A_127 {offsets = [0, 1280], sizes = [2048, 128], strides = [1, 1]} : vector<2048x2048xf32> to vector<2048x128xf32>
    %lt3A_189 = arith.cmpf olt, %slice3A_188, %select_n3A_184 : vector<2048x128xf32>
    %select_n3A_190 = arith.select %lt3A_189, %slice3A_188, %select_n3A_184 : vector<2048x128xi1>, vector<2048x128xf32>
    %jit3A_191 = arith.constant 2.600000e+01 : f32
    %broadcast_in_dim3A_192 = vector.broadcast %jit3A_191 : f32 to vector<2048x128xf32>
    %select_n3A_193 = arith.select %lt3A_189, %broadcast_in_dim3A_192, %select_n3A_187 : vector<2048x128xi1>, vector<2048x128xf32>
    %slice3A_194 = vector.extract_strided_slice %add3A_127 {offsets = [0, 1408], sizes = [2048, 128], strides = [1, 1]} : vector<2048x2048xf32> to vector<2048x128xf32>
    %lt3A_195 = arith.cmpf olt, %slice3A_194, %select_n3A_190 : vector<2048x128xf32>
    %select_n3A_196 = arith.select %lt3A_195, %slice3A_194, %select_n3A_190 : vector<2048x128xi1>, vector<2048x128xf32>
    %jit3A_197 = arith.constant 2.700000e+01 : f32
    %broadcast_in_dim3A_198 = vector.broadcast %jit3A_197 : f32 to vector<2048x128xf32>
    %select_n3A_199 = arith.select %lt3A_195, %broadcast_in_dim3A_198, %select_n3A_193 : vector<2048x128xi1>, vector<2048x128xf32>
    %slice3A_200 = vector.extract_strided_slice %add3A_127 {offsets = [0, 1536], sizes = [2048, 128], strides = [1, 1]} : vector<2048x2048xf32> to vector<2048x128xf32>
    %lt3A_201 = arith.cmpf olt, %slice3A_200, %select_n3A_196 : vector<2048x128xf32>
    %select_n3A_202 = arith.select %lt3A_201, %slice3A_200, %select_n3A_196 : vector<2048x128xi1>, vector<2048x128xf32>
    %jit3A_203 = arith.constant 2.800000e+01 : f32
    %broadcast_in_dim3A_204 = vector.broadcast %jit3A_203 : f32 to vector<2048x128xf32>
    %select_n3A_205 = arith.select %lt3A_201, %broadcast_in_dim3A_204, %select_n3A_199 : vector<2048x128xi1>, vector<2048x128xf32>
    %slice3A_206 = vector.extract_strided_slice %add3A_127 {offsets = [0, 1664], sizes = [2048, 128], strides = [1, 1]} : vector<2048x2048xf32> to vector<2048x128xf32>
    %lt3A_207 = arith.cmpf olt, %slice3A_206, %select_n3A_202 : vector<2048x128xf32>
    %select_n3A_208 = arith.select %lt3A_207, %slice3A_206, %select_n3A_202 : vector<2048x128xi1>, vector<2048x128xf32>
    %jit3A_209 = arith.constant 2.900000e+01 : f32
    %broadcast_in_dim3A_210 = vector.broadcast %jit3A_209 : f32 to vector<2048x128xf32>
    %select_n3A_211 = arith.select %lt3A_207, %broadcast_in_dim3A_210, %select_n3A_205 : vector<2048x128xi1>, vector<2048x128xf32>
    %slice3A_212 = vector.extract_strided_slice %add3A_127 {offsets = [0, 1792], sizes = [2048, 128], strides = [1, 1]} : vector<2048x2048xf32> to vector<2048x128xf32>
    %lt3A_213 = arith.cmpf olt, %slice3A_212, %select_n3A_208 : vector<2048x128xf32>
    %select_n3A_214 = arith.select %lt3A_213, %slice3A_212, %select_n3A_208 : vector<2048x128xi1>, vector<2048x128xf32>
    %jit3A_215 = arith.constant 3.000000e+01 : f32
    %broadcast_in_dim3A_216 = vector.broadcast %jit3A_215 : f32 to vector<2048x128xf32>
    %select_n3A_217 = arith.select %lt3A_213, %broadcast_in_dim3A_216, %select_n3A_211 : vector<2048x128xi1>, vector<2048x128xf32>
    %slice3A_218 = vector.extract_strided_slice %add3A_127 {offsets = [0, 1920], sizes = [2048, 128], strides = [1, 1]} : vector<2048x2048xf32> to vector<2048x128xf32>
    %lt3A_219 = arith.cmpf olt, %slice3A_218, %select_n3A_214 : vector<2048x128xf32>
    %select_n3A_220 = arith.select %lt3A_219, %slice3A_218, %select_n3A_214 : vector<2048x128xi1>, vector<2048x128xf32>
    %jit3A_221 = arith.constant 3.100000e+01 : f32
    %broadcast_in_dim3A_222 = vector.broadcast %jit3A_221 : f32 to vector<2048x128xf32>
    %select_n3A_223 = arith.select %lt3A_219, %broadcast_in_dim3A_222, %select_n3A_217 : vector<2048x128xi1>, vector<2048x128xf32>
    %get3A_224 = arith.constant 4096 : index
    %get3A_225 = arith.constant 0 : index
    %get3A_226 = vector.load %arg2[%get3A_224, %get3A_225] : memref<8192x256xf32, #tpu.memory_space<vmem>>, vector<2048x256xf32>
    %dot_general3A_227 = arith.constant dense<0.000000e+00> : vector<2048x2048xf32>
    %dot_general3A_228 = tpu.matmul %mul3A_9, %get3A_226, %dot_general3A_227 {dimension_numbers = #tpu.dot_dimension_numbers<[1], [1], [0], [0], [0, 0, 1, 0], [], []>, transpose_lhs_hint = false} : vector<2048x256xf32>, vector<2048x256xf32>, vector<2048x2048xf32> -> vector<2048x2048xf32>
    %add3A_229 = vector.broadcast %broadcast_in_dim3A : vector<2048x1xf32> to vector<2048x2048xf32>
    %add3A_230 = arith.addf %add3A_229, %dot_general3A_228 : vector<2048x2048xf32>
    %get3A_231 = arith.constant 0 : index
    %get3A_232 = arith.constant 4096 : index
    %get3A_233 = vector.load %arg4[%get3A_231, %get3A_232] : memref<1x8192xf32, #tpu.memory_space<vmem>>, vector<1x2048xf32>
    %add3A_234 = vector.broadcast %get3A_233 : vector<1x2048xf32> to vector<2048x2048xf32>
    %add3A_235 = arith.addf %add3A_230, %add3A_234 : vector<2048x2048xf32>
    %slice3A_236 = vector.extract_strided_slice %add3A_235 {offsets = [0, 0], sizes = [2048, 128], strides = [1, 1]} : vector<2048x2048xf32> to vector<2048x128xf32>
    %lt3A_237 = arith.cmpf olt, %slice3A_236, %select_n3A_220 : vector<2048x128xf32>
    %select_n3A_238 = arith.select %lt3A_237, %slice3A_236, %select_n3A_220 : vector<2048x128xi1>, vector<2048x128xf32>
    %jit3A_239 = arith.constant 3.200000e+01 : f32
    %broadcast_in_dim3A_240 = vector.broadcast %jit3A_239 : f32 to vector<2048x128xf32>
    %select_n3A_241 = arith.select %lt3A_237, %broadcast_in_dim3A_240, %select_n3A_223 : vector<2048x128xi1>, vector<2048x128xf32>
    %slice3A_242 = vector.extract_strided_slice %add3A_235 {offsets = [0, 128], sizes = [2048, 128], strides = [1, 1]} : vector<2048x2048xf32> to vector<2048x128xf32>
    %lt3A_243 = arith.cmpf olt, %slice3A_242, %select_n3A_238 : vector<2048x128xf32>
    %select_n3A_244 = arith.select %lt3A_243, %slice3A_242, %select_n3A_238 : vector<2048x128xi1>, vector<2048x128xf32>
    %jit3A_245 = arith.constant 3.300000e+01 : f32
    %broadcast_in_dim3A_246 = vector.broadcast %jit3A_245 : f32 to vector<2048x128xf32>
    %select_n3A_247 = arith.select %lt3A_243, %broadcast_in_dim3A_246, %select_n3A_241 : vector<2048x128xi1>, vector<2048x128xf32>
    %slice3A_248 = vector.extract_strided_slice %add3A_235 {offsets = [0, 256], sizes = [2048, 128], strides = [1, 1]} : vector<2048x2048xf32> to vector<2048x128xf32>
    %lt3A_249 = arith.cmpf olt, %slice3A_248, %select_n3A_244 : vector<2048x128xf32>
    %select_n3A_250 = arith.select %lt3A_249, %slice3A_248, %select_n3A_244 : vector<2048x128xi1>, vector<2048x128xf32>
    %jit3A_251 = arith.constant 3.400000e+01 : f32
    %broadcast_in_dim3A_252 = vector.broadcast %jit3A_251 : f32 to vector<2048x128xf32>
    %select_n3A_253 = arith.select %lt3A_249, %broadcast_in_dim3A_252, %select_n3A_247 : vector<2048x128xi1>, vector<2048x128xf32>
    %slice3A_254 = vector.extract_strided_slice %add3A_235 {offsets = [0, 384], sizes = [2048, 128], strides = [1, 1]} : vector<2048x2048xf32> to vector<2048x128xf32>
    %lt3A_255 = arith.cmpf olt, %slice3A_254, %select_n3A_250 : vector<2048x128xf32>
    %select_n3A_256 = arith.select %lt3A_255, %slice3A_254, %select_n3A_250 : vector<2048x128xi1>, vector<2048x128xf32>
    %jit3A_257 = arith.constant 3.500000e+01 : f32
    %broadcast_in_dim3A_258 = vector.broadcast %jit3A_257 : f32 to vector<2048x128xf32>
    %select_n3A_259 = arith.select %lt3A_255, %broadcast_in_dim3A_258, %select_n3A_253 : vector<2048x128xi1>, vector<2048x128xf32>
    %slice3A_260 = vector.extract_strided_slice %add3A_235 {offsets = [0, 512], sizes = [2048, 128], strides = [1, 1]} : vector<2048x2048xf32> to vector<2048x128xf32>
    %lt3A_261 = arith.cmpf olt, %slice3A_260, %select_n3A_256 : vector<2048x128xf32>
    %select_n3A_262 = arith.select %lt3A_261, %slice3A_260, %select_n3A_256 : vector<2048x128xi1>, vector<2048x128xf32>
    %jit3A_263 = arith.constant 3.600000e+01 : f32
    %broadcast_in_dim3A_264 = vector.broadcast %jit3A_263 : f32 to vector<2048x128xf32>
    %select_n3A_265 = arith.select %lt3A_261, %broadcast_in_dim3A_264, %select_n3A_259 : vector<2048x128xi1>, vector<2048x128xf32>
    %slice3A_266 = vector.extract_strided_slice %add3A_235 {offsets = [0, 640], sizes = [2048, 128], strides = [1, 1]} : vector<2048x2048xf32> to vector<2048x128xf32>
    %lt3A_267 = arith.cmpf olt, %slice3A_266, %select_n3A_262 : vector<2048x128xf32>
    %select_n3A_268 = arith.select %lt3A_267, %slice3A_266, %select_n3A_262 : vector<2048x128xi1>, vector<2048x128xf32>
    %jit3A_269 = arith.constant 3.700000e+01 : f32
    %broadcast_in_dim3A_270 = vector.broadcast %jit3A_269 : f32 to vector<2048x128xf32>
    %select_n3A_271 = arith.select %lt3A_267, %broadcast_in_dim3A_270, %select_n3A_265 : vector<2048x128xi1>, vector<2048x128xf32>
    %slice3A_272 = vector.extract_strided_slice %add3A_235 {offsets = [0, 768], sizes = [2048, 128], strides = [1, 1]} : vector<2048x2048xf32> to vector<2048x128xf32>
    %lt3A_273 = arith.cmpf olt, %slice3A_272, %select_n3A_268 : vector<2048x128xf32>
    %select_n3A_274 = arith.select %lt3A_273, %slice3A_272, %select_n3A_268 : vector<2048x128xi1>, vector<2048x128xf32>
    %jit3A_275 = arith.constant 3.800000e+01 : f32
    %broadcast_in_dim3A_276 = vector.broadcast %jit3A_275 : f32 to vector<2048x128xf32>
    %select_n3A_277 = arith.select %lt3A_273, %broadcast_in_dim3A_276, %select_n3A_271 : vector<2048x128xi1>, vector<2048x128xf32>
    %slice3A_278 = vector.extract_strided_slice %add3A_235 {offsets = [0, 896], sizes = [2048, 128], strides = [1, 1]} : vector<2048x2048xf32> to vector<2048x128xf32>
    %lt3A_279 = arith.cmpf olt, %slice3A_278, %select_n3A_274 : vector<2048x128xf32>
    %select_n3A_280 = arith.select %lt3A_279, %slice3A_278, %select_n3A_274 : vector<2048x128xi1>, vector<2048x128xf32>
    %jit3A_281 = arith.constant 3.900000e+01 : f32
    %broadcast_in_dim3A_282 = vector.broadcast %jit3A_281 : f32 to vector<2048x128xf32>
    %select_n3A_283 = arith.select %lt3A_279, %broadcast_in_dim3A_282, %select_n3A_277 : vector<2048x128xi1>, vector<2048x128xf32>
    %slice3A_284 = vector.extract_strided_slice %add3A_235 {offsets = [0, 1024], sizes = [2048, 128], strides = [1, 1]} : vector<2048x2048xf32> to vector<2048x128xf32>
    %lt3A_285 = arith.cmpf olt, %slice3A_284, %select_n3A_280 : vector<2048x128xf32>
    %select_n3A_286 = arith.select %lt3A_285, %slice3A_284, %select_n3A_280 : vector<2048x128xi1>, vector<2048x128xf32>
    %jit3A_287 = arith.constant 4.000000e+01 : f32
    %broadcast_in_dim3A_288 = vector.broadcast %jit3A_287 : f32 to vector<2048x128xf32>
    %select_n3A_289 = arith.select %lt3A_285, %broadcast_in_dim3A_288, %select_n3A_283 : vector<2048x128xi1>, vector<2048x128xf32>
    %slice3A_290 = vector.extract_strided_slice %add3A_235 {offsets = [0, 1152], sizes = [2048, 128], strides = [1, 1]} : vector<2048x2048xf32> to vector<2048x128xf32>
    %lt3A_291 = arith.cmpf olt, %slice3A_290, %select_n3A_286 : vector<2048x128xf32>
    %select_n3A_292 = arith.select %lt3A_291, %slice3A_290, %select_n3A_286 : vector<2048x128xi1>, vector<2048x128xf32>
    %jit3A_293 = arith.constant 4.100000e+01 : f32
    %broadcast_in_dim3A_294 = vector.broadcast %jit3A_293 : f32 to vector<2048x128xf32>
    %select_n3A_295 = arith.select %lt3A_291, %broadcast_in_dim3A_294, %select_n3A_289 : vector<2048x128xi1>, vector<2048x128xf32>
    %slice3A_296 = vector.extract_strided_slice %add3A_235 {offsets = [0, 1280], sizes = [2048, 128], strides = [1, 1]} : vector<2048x2048xf32> to vector<2048x128xf32>
    %lt3A_297 = arith.cmpf olt, %slice3A_296, %select_n3A_292 : vector<2048x128xf32>
    %select_n3A_298 = arith.select %lt3A_297, %slice3A_296, %select_n3A_292 : vector<2048x128xi1>, vector<2048x128xf32>
    %jit3A_299 = arith.constant 4.200000e+01 : f32
    %broadcast_in_dim3A_300 = vector.broadcast %jit3A_299 : f32 to vector<2048x128xf32>
    %select_n3A_301 = arith.select %lt3A_297, %broadcast_in_dim3A_300, %select_n3A_295 : vector<2048x128xi1>, vector<2048x128xf32>
    %slice3A_302 = vector.extract_strided_slice %add3A_235 {offsets = [0, 1408], sizes = [2048, 128], strides = [1, 1]} : vector<2048x2048xf32> to vector<2048x128xf32>
    %lt3A_303 = arith.cmpf olt, %slice3A_302, %select_n3A_298 : vector<2048x128xf32>
    %select_n3A_304 = arith.select %lt3A_303, %slice3A_302, %select_n3A_298 : vector<2048x128xi1>, vector<2048x128xf32>
    %jit3A_305 = arith.constant 4.300000e+01 : f32
    %broadcast_in_dim3A_306 = vector.broadcast %jit3A_305 : f32 to vector<2048x128xf32>
    %select_n3A_307 = arith.select %lt3A_303, %broadcast_in_dim3A_306, %select_n3A_301 : vector<2048x128xi1>, vector<2048x128xf32>
    %slice3A_308 = vector.extract_strided_slice %add3A_235 {offsets = [0, 1536], sizes = [2048, 128], strides = [1, 1]} : vector<2048x2048xf32> to vector<2048x128xf32>
    %lt3A_309 = arith.cmpf olt, %slice3A_308, %select_n3A_304 : vector<2048x128xf32>
    %select_n3A_310 = arith.select %lt3A_309, %slice3A_308, %select_n3A_304 : vector<2048x128xi1>, vector<2048x128xf32>
    %jit3A_311 = arith.constant 4.400000e+01 : f32
    %broadcast_in_dim3A_312 = vector.broadcast %jit3A_311 : f32 to vector<2048x128xf32>
    %select_n3A_313 = arith.select %lt3A_309, %broadcast_in_dim3A_312, %select_n3A_307 : vector<2048x128xi1>, vector<2048x128xf32>
    %slice3A_314 = vector.extract_strided_slice %add3A_235 {offsets = [0, 1664], sizes = [2048, 128], strides = [1, 1]} : vector<2048x2048xf32> to vector<2048x128xf32>
    %lt3A_315 = arith.cmpf olt, %slice3A_314, %select_n3A_310 : vector<2048x128xf32>
    %select_n3A_316 = arith.select %lt3A_315, %slice3A_314, %select_n3A_310 : vector<2048x128xi1>, vector<2048x128xf32>
    %jit3A_317 = arith.constant 4.500000e+01 : f32
    %broadcast_in_dim3A_318 = vector.broadcast %jit3A_317 : f32 to vector<2048x128xf32>
    %select_n3A_319 = arith.select %lt3A_315, %broadcast_in_dim3A_318, %select_n3A_313 : vector<2048x128xi1>, vector<2048x128xf32>
    %slice3A_320 = vector.extract_strided_slice %add3A_235 {offsets = [0, 1792], sizes = [2048, 128], strides = [1, 1]} : vector<2048x2048xf32> to vector<2048x128xf32>
    %lt3A_321 = arith.cmpf olt, %slice3A_320, %select_n3A_316 : vector<2048x128xf32>
    %select_n3A_322 = arith.select %lt3A_321, %slice3A_320, %select_n3A_316 : vector<2048x128xi1>, vector<2048x128xf32>
    %jit3A_323 = arith.constant 4.600000e+01 : f32
    %broadcast_in_dim3A_324 = vector.broadcast %jit3A_323 : f32 to vector<2048x128xf32>
    %select_n3A_325 = arith.select %lt3A_321, %broadcast_in_dim3A_324, %select_n3A_319 : vector<2048x128xi1>, vector<2048x128xf32>
    %slice3A_326 = vector.extract_strided_slice %add3A_235 {offsets = [0, 1920], sizes = [2048, 128], strides = [1, 1]} : vector<2048x2048xf32> to vector<2048x128xf32>
    %lt3A_327 = arith.cmpf olt, %slice3A_326, %select_n3A_322 : vector<2048x128xf32>
    %select_n3A_328 = arith.select %lt3A_327, %slice3A_326, %select_n3A_322 : vector<2048x128xi1>, vector<2048x128xf32>
    %jit3A_329 = arith.constant 4.700000e+01 : f32
    %broadcast_in_dim3A_330 = vector.broadcast %jit3A_329 : f32 to vector<2048x128xf32>
    %select_n3A_331 = arith.select %lt3A_327, %broadcast_in_dim3A_330, %select_n3A_325 : vector<2048x128xi1>, vector<2048x128xf32>
    %get3A_332 = arith.constant 6144 : index
    %get3A_333 = arith.constant 0 : index
    %get3A_334 = vector.load %arg2[%get3A_332, %get3A_333] : memref<8192x256xf32, #tpu.memory_space<vmem>>, vector<2048x256xf32>
    %dot_general3A_335 = arith.constant dense<0.000000e+00> : vector<2048x2048xf32>
    %dot_general3A_336 = tpu.matmul %mul3A_9, %get3A_334, %dot_general3A_335 {dimension_numbers = #tpu.dot_dimension_numbers<[1], [1], [0], [0], [0, 0, 1, 0], [], []>, transpose_lhs_hint = false} : vector<2048x256xf32>, vector<2048x256xf32>, vector<2048x2048xf32> -> vector<2048x2048xf32>
    %add3A_337 = vector.broadcast %broadcast_in_dim3A : vector<2048x1xf32> to vector<2048x2048xf32>
    %add3A_338 = arith.addf %add3A_337, %dot_general3A_336 : vector<2048x2048xf32>
    %get3A_339 = arith.constant 0 : index
    %get3A_340 = arith.constant 6144 : index
    %get3A_341 = vector.load %arg4[%get3A_339, %get3A_340] : memref<1x8192xf32, #tpu.memory_space<vmem>>, vector<1x2048xf32>
    %add3A_342 = vector.broadcast %get3A_341 : vector<1x2048xf32> to vector<2048x2048xf32>
    %add3A_343 = arith.addf %add3A_338, %add3A_342 : vector<2048x2048xf32>
    %slice3A_344 = vector.extract_strided_slice %add3A_343 {offsets = [0, 0], sizes = [2048, 128], strides = [1, 1]} : vector<2048x2048xf32> to vector<2048x128xf32>
    %lt3A_345 = arith.cmpf olt, %slice3A_344, %select_n3A_328 : vector<2048x128xf32>
    %select_n3A_346 = arith.select %lt3A_345, %slice3A_344, %select_n3A_328 : vector<2048x128xi1>, vector<2048x128xf32>
    %jit3A_347 = arith.constant 4.800000e+01 : f32
    %broadcast_in_dim3A_348 = vector.broadcast %jit3A_347 : f32 to vector<2048x128xf32>
    %select_n3A_349 = arith.select %lt3A_345, %broadcast_in_dim3A_348, %select_n3A_331 : vector<2048x128xi1>, vector<2048x128xf32>
    %slice3A_350 = vector.extract_strided_slice %add3A_343 {offsets = [0, 128], sizes = [2048, 128], strides = [1, 1]} : vector<2048x2048xf32> to vector<2048x128xf32>
    %lt3A_351 = arith.cmpf olt, %slice3A_350, %select_n3A_346 : vector<2048x128xf32>
    %select_n3A_352 = arith.select %lt3A_351, %slice3A_350, %select_n3A_346 : vector<2048x128xi1>, vector<2048x128xf32>
    %jit3A_353 = arith.constant 4.900000e+01 : f32
    %broadcast_in_dim3A_354 = vector.broadcast %jit3A_353 : f32 to vector<2048x128xf32>
    %select_n3A_355 = arith.select %lt3A_351, %broadcast_in_dim3A_354, %select_n3A_349 : vector<2048x128xi1>, vector<2048x128xf32>
    %slice3A_356 = vector.extract_strided_slice %add3A_343 {offsets = [0, 256], sizes = [2048, 128], strides = [1, 1]} : vector<2048x2048xf32> to vector<2048x128xf32>
    %lt3A_357 = arith.cmpf olt, %slice3A_356, %select_n3A_352 : vector<2048x128xf32>
    %select_n3A_358 = arith.select %lt3A_357, %slice3A_356, %select_n3A_352 : vector<2048x128xi1>, vector<2048x128xf32>
    %jit3A_359 = arith.constant 5.000000e+01 : f32
    %broadcast_in_dim3A_360 = vector.broadcast %jit3A_359 : f32 to vector<2048x128xf32>
    %select_n3A_361 = arith.select %lt3A_357, %broadcast_in_dim3A_360, %select_n3A_355 : vector<2048x128xi1>, vector<2048x128xf32>
    %slice3A_362 = vector.extract_strided_slice %add3A_343 {offsets = [0, 384], sizes = [2048, 128], strides = [1, 1]} : vector<2048x2048xf32> to vector<2048x128xf32>
    %lt3A_363 = arith.cmpf olt, %slice3A_362, %select_n3A_358 : vector<2048x128xf32>
    %select_n3A_364 = arith.select %lt3A_363, %slice3A_362, %select_n3A_358 : vector<2048x128xi1>, vector<2048x128xf32>
    %jit3A_365 = arith.constant 5.100000e+01 : f32
    %broadcast_in_dim3A_366 = vector.broadcast %jit3A_365 : f32 to vector<2048x128xf32>
    %select_n3A_367 = arith.select %lt3A_363, %broadcast_in_dim3A_366, %select_n3A_361 : vector<2048x128xi1>, vector<2048x128xf32>
    %slice3A_368 = vector.extract_strided_slice %add3A_343 {offsets = [0, 512], sizes = [2048, 128], strides = [1, 1]} : vector<2048x2048xf32> to vector<2048x128xf32>
    %lt3A_369 = arith.cmpf olt, %slice3A_368, %select_n3A_364 : vector<2048x128xf32>
    %select_n3A_370 = arith.select %lt3A_369, %slice3A_368, %select_n3A_364 : vector<2048x128xi1>, vector<2048x128xf32>
    %jit3A_371 = arith.constant 5.200000e+01 : f32
    %broadcast_in_dim3A_372 = vector.broadcast %jit3A_371 : f32 to vector<2048x128xf32>
    %select_n3A_373 = arith.select %lt3A_369, %broadcast_in_dim3A_372, %select_n3A_367 : vector<2048x128xi1>, vector<2048x128xf32>
    %slice3A_374 = vector.extract_strided_slice %add3A_343 {offsets = [0, 640], sizes = [2048, 128], strides = [1, 1]} : vector<2048x2048xf32> to vector<2048x128xf32>
    %lt3A_375 = arith.cmpf olt, %slice3A_374, %select_n3A_370 : vector<2048x128xf32>
    %select_n3A_376 = arith.select %lt3A_375, %slice3A_374, %select_n3A_370 : vector<2048x128xi1>, vector<2048x128xf32>
    %jit3A_377 = arith.constant 5.300000e+01 : f32
    %broadcast_in_dim3A_378 = vector.broadcast %jit3A_377 : f32 to vector<2048x128xf32>
    %select_n3A_379 = arith.select %lt3A_375, %broadcast_in_dim3A_378, %select_n3A_373 : vector<2048x128xi1>, vector<2048x128xf32>
    %slice3A_380 = vector.extract_strided_slice %add3A_343 {offsets = [0, 768], sizes = [2048, 128], strides = [1, 1]} : vector<2048x2048xf32> to vector<2048x128xf32>
    %lt3A_381 = arith.cmpf olt, %slice3A_380, %select_n3A_376 : vector<2048x128xf32>
    %select_n3A_382 = arith.select %lt3A_381, %slice3A_380, %select_n3A_376 : vector<2048x128xi1>, vector<2048x128xf32>
    %jit3A_383 = arith.constant 5.400000e+01 : f32
    %broadcast_in_dim3A_384 = vector.broadcast %jit3A_383 : f32 to vector<2048x128xf32>
    %select_n3A_385 = arith.select %lt3A_381, %broadcast_in_dim3A_384, %select_n3A_379 : vector<2048x128xi1>, vector<2048x128xf32>
    %slice3A_386 = vector.extract_strided_slice %add3A_343 {offsets = [0, 896], sizes = [2048, 128], strides = [1, 1]} : vector<2048x2048xf32> to vector<2048x128xf32>
    %lt3A_387 = arith.cmpf olt, %slice3A_386, %select_n3A_382 : vector<2048x128xf32>
    %select_n3A_388 = arith.select %lt3A_387, %slice3A_386, %select_n3A_382 : vector<2048x128xi1>, vector<2048x128xf32>
    %jit3A_389 = arith.constant 5.500000e+01 : f32
    %broadcast_in_dim3A_390 = vector.broadcast %jit3A_389 : f32 to vector<2048x128xf32>
    %select_n3A_391 = arith.select %lt3A_387, %broadcast_in_dim3A_390, %select_n3A_385 : vector<2048x128xi1>, vector<2048x128xf32>
    %slice3A_392 = vector.extract_strided_slice %add3A_343 {offsets = [0, 1024], sizes = [2048, 128], strides = [1, 1]} : vector<2048x2048xf32> to vector<2048x128xf32>
    %lt3A_393 = arith.cmpf olt, %slice3A_392, %select_n3A_388 : vector<2048x128xf32>
    %select_n3A_394 = arith.select %lt3A_393, %slice3A_392, %select_n3A_388 : vector<2048x128xi1>, vector<2048x128xf32>
    %jit3A_395 = arith.constant 5.600000e+01 : f32
    %broadcast_in_dim3A_396 = vector.broadcast %jit3A_395 : f32 to vector<2048x128xf32>
    %select_n3A_397 = arith.select %lt3A_393, %broadcast_in_dim3A_396, %select_n3A_391 : vector<2048x128xi1>, vector<2048x128xf32>
    %slice3A_398 = vector.extract_strided_slice %add3A_343 {offsets = [0, 1152], sizes = [2048, 128], strides = [1, 1]} : vector<2048x2048xf32> to vector<2048x128xf32>
    %lt3A_399 = arith.cmpf olt, %slice3A_398, %select_n3A_394 : vector<2048x128xf32>
    %select_n3A_400 = arith.select %lt3A_399, %slice3A_398, %select_n3A_394 : vector<2048x128xi1>, vector<2048x128xf32>
    %jit3A_401 = arith.constant 5.700000e+01 : f32
    %broadcast_in_dim3A_402 = vector.broadcast %jit3A_401 : f32 to vector<2048x128xf32>
    %select_n3A_403 = arith.select %lt3A_399, %broadcast_in_dim3A_402, %select_n3A_397 : vector<2048x128xi1>, vector<2048x128xf32>
    %slice3A_404 = vector.extract_strided_slice %add3A_343 {offsets = [0, 1280], sizes = [2048, 128], strides = [1, 1]} : vector<2048x2048xf32> to vector<2048x128xf32>
    %lt3A_405 = arith.cmpf olt, %slice3A_404, %select_n3A_400 : vector<2048x128xf32>
    %select_n3A_406 = arith.select %lt3A_405, %slice3A_404, %select_n3A_400 : vector<2048x128xi1>, vector<2048x128xf32>
    %jit3A_407 = arith.constant 5.800000e+01 : f32
    %broadcast_in_dim3A_408 = vector.broadcast %jit3A_407 : f32 to vector<2048x128xf32>
    %select_n3A_409 = arith.select %lt3A_405, %broadcast_in_dim3A_408, %select_n3A_403 : vector<2048x128xi1>, vector<2048x128xf32>
    %slice3A_410 = vector.extract_strided_slice %add3A_343 {offsets = [0, 1408], sizes = [2048, 128], strides = [1, 1]} : vector<2048x2048xf32> to vector<2048x128xf32>
    %lt3A_411 = arith.cmpf olt, %slice3A_410, %select_n3A_406 : vector<2048x128xf32>
    %select_n3A_412 = arith.select %lt3A_411, %slice3A_410, %select_n3A_406 : vector<2048x128xi1>, vector<2048x128xf32>
    %jit3A_413 = arith.constant 5.900000e+01 : f32
    %broadcast_in_dim3A_414 = vector.broadcast %jit3A_413 : f32 to vector<2048x128xf32>
    %select_n3A_415 = arith.select %lt3A_411, %broadcast_in_dim3A_414, %select_n3A_409 : vector<2048x128xi1>, vector<2048x128xf32>
    %slice3A_416 = vector.extract_strided_slice %add3A_343 {offsets = [0, 1536], sizes = [2048, 128], strides = [1, 1]} : vector<2048x2048xf32> to vector<2048x128xf32>
    %lt3A_417 = arith.cmpf olt, %slice3A_416, %select_n3A_412 : vector<2048x128xf32>
    %select_n3A_418 = arith.select %lt3A_417, %slice3A_416, %select_n3A_412 : vector<2048x128xi1>, vector<2048x128xf32>
    %jit3A_419 = arith.constant 6.000000e+01 : f32
    %broadcast_in_dim3A_420 = vector.broadcast %jit3A_419 : f32 to vector<2048x128xf32>
    %select_n3A_421 = arith.select %lt3A_417, %broadcast_in_dim3A_420, %select_n3A_415 : vector<2048x128xi1>, vector<2048x128xf32>
    %slice3A_422 = vector.extract_strided_slice %add3A_343 {offsets = [0, 1664], sizes = [2048, 128], strides = [1, 1]} : vector<2048x2048xf32> to vector<2048x128xf32>
    %lt3A_423 = arith.cmpf olt, %slice3A_422, %select_n3A_418 : vector<2048x128xf32>
    %select_n3A_424 = arith.select %lt3A_423, %slice3A_422, %select_n3A_418 : vector<2048x128xi1>, vector<2048x128xf32>
    %jit3A_425 = arith.constant 6.100000e+01 : f32
    %broadcast_in_dim3A_426 = vector.broadcast %jit3A_425 : f32 to vector<2048x128xf32>
    %select_n3A_427 = arith.select %lt3A_423, %broadcast_in_dim3A_426, %select_n3A_421 : vector<2048x128xi1>, vector<2048x128xf32>
    %slice3A_428 = vector.extract_strided_slice %add3A_343 {offsets = [0, 1792], sizes = [2048, 128], strides = [1, 1]} : vector<2048x2048xf32> to vector<2048x128xf32>
    %lt3A_429 = arith.cmpf olt, %slice3A_428, %select_n3A_424 : vector<2048x128xf32>
    %select_n3A_430 = arith.select %lt3A_429, %slice3A_428, %select_n3A_424 : vector<2048x128xi1>, vector<2048x128xf32>
    %jit3A_431 = arith.constant 6.200000e+01 : f32
    %broadcast_in_dim3A_432 = vector.broadcast %jit3A_431 : f32 to vector<2048x128xf32>
    %select_n3A_433 = arith.select %lt3A_429, %broadcast_in_dim3A_432, %select_n3A_427 : vector<2048x128xi1>, vector<2048x128xf32>
    %slice3A_434 = vector.extract_strided_slice %add3A_343 {offsets = [0, 1920], sizes = [2048, 128], strides = [1, 1]} : vector<2048x2048xf32> to vector<2048x128xf32>
    %lt3A_435 = arith.cmpf olt, %slice3A_434, %select_n3A_430 : vector<2048x128xf32>
    %select_n3A_436 = arith.select %lt3A_435, %slice3A_434, %select_n3A_430 : vector<2048x128xi1>, vector<2048x128xf32>
    %jit3A_437 = arith.constant 6.300000e+01 : f32
    %broadcast_in_dim3A_438 = vector.broadcast %jit3A_437 : f32 to vector<2048x128xf32>
    %select_n3A_439 = arith.select %lt3A_435, %broadcast_in_dim3A_438, %select_n3A_433 : vector<2048x128xi1>, vector<2048x128xf32>
    %reduce_min3A = arith.constant dense<0x7F800000> : vector<2048xf32>
    %reduce_min3A_440 = vector.multi_reduction <minimumf>, %select_n3A_436, %reduce_min3A [1] : vector<2048x128xf32> to vector<2048xf32>
    %broadcast_in_dim3A_441 = vector.shape_cast %reduce_min3A_440 : vector<2048xf32> to vector<2048x1xf32>
    %iota3A = tpu.iota {dimensions = array<i32: 1>} : vector<1x128xi32>
    %convert_element_type3A_442 = arith.sitofp %iota3A : vector<1x128xi32> to vector<1x128xf32>
    %eq3A_443 = vector.broadcast %broadcast_in_dim3A_441 : vector<2048x1xf32> to vector<2048x128xf32>
    %eq3A_444 = arith.cmpf oeq, %select_n3A_436, %eq3A_443 : vector<2048x128xf32>
    %mul3A_445 = arith.constant 1.280000e+02 : f32
    %mul3A_446 = vector.broadcast %mul3A_445 : f32 to vector<2048x128xf32>
    %mul3A_447 = arith.mulf %select_n3A_439, %mul3A_446 : vector<2048x128xf32>
    %add3A_448 = vector.broadcast %convert_element_type3A_442 : vector<1x128xf32> to vector<2048x128xf32>
    %add3A_449 = arith.addf %mul3A_447, %add3A_448 : vector<2048x128xf32>
    %jit3A_450 = arith.constant 8.192000e+03 : f32
    %broadcast_in_dim3A_451 = vector.broadcast %jit3A_450 : f32 to vector<2048x128xf32>
    %select_n3A_452 = arith.select %eq3A_444, %add3A_449, %broadcast_in_dim3A_451 : vector<2048x128xi1>, vector<2048x128xf32>
    %reduce_min3A_453 = arith.constant dense<0x7F800000> : vector<2048xf32>
    %reduce_min3A_454 = vector.multi_reduction <minimumf>, %select_n3A_452, %reduce_min3A_453 [1] : vector<2048x128xf32> to vector<2048xf32>
    %broadcast_in_dim3A_455 = vector.shape_cast %reduce_min3A_454 : vector<2048xf32> to vector<2048x1xf32>
    %convert_element_type3A_456 = arith.fptosi %broadcast_in_dim3A_455 : vector<2048x1xf32> to vector<2048x1xi32>
    %swap3A = arith.constant 0 : index
    %swap3A_457 = arith.constant 0 : index
    %swap3A_458 = vector.load %arg3[%swap3A, %swap3A_457] : memref<2048x1xi32, #tpu.memory_space<vmem>>, vector<2048x1xi32>
    tpu.vector_store %arg3[%swap3A, %swap3A_457], %convert_element_type3A_456 {strides = array<i32>} : memref<2048x1xi32, #tpu.memory_space<vmem>>, vector<2048x1xi32>,
    return
  }
  func.func @transform_0(%arg0: i32) -> (i32, i32) {
    %c0_i32 = arith.constant 0 : i32
    %c0_i32_0 = arith.constant 0 : i32
    return %arg0, %c0_i32 : i32, i32
  }
  func.func @transform_1(%arg0: i32) -> (i32, i32) {
    %c0_i32 = arith.constant 0 : i32
    %c0_i32_0 = arith.constant 0 : i32
    %c0_i32_1 = arith.constant 0 : i32
    return %c0_i32, %c0_i32_0 : i32, i32
  }
  func.func @transform_2(%arg0: i32) -> (i32, i32) {
    %c0_i32 = arith.constant 0 : i32
    %c0_i32_0 = arith.constant 0 : i32
    return %arg0, %c0_i32 : i32, i32
  }
}

</mosaic_0001>

<sc_bundles>
// kernel: kernel.4.cloned.1.call-start
scs
__scs_entry_jumppad:
0x0: {  	(pc) =	sbr.rel $0x88, $3  }
0x1: {  	(tag) =	ssettag $0x0;
	lr =	simm.s32 $0x1  }
0x2: {  	[smem:$0x3F9F] =	sst lr;
	_ =	strace $0xD0000000  }
0x3: {  	_ = 	snop  }
0x4: {  	_ = 	snop  }
0x5: {  	_ = 	snop  }
0x6: {  	_ = 	snop  }
0x7: {  	_ = 	snop  }
__scs_overlays_trampoline_lowered:
0x8: {  	[smem:$0x3FAE] =	sst s0  }
0x9: {  	[smem:$0x3FAF] =	sst s1  }
0xa: {  	[smem:$0x3FB0] =	sst s2  }
0xb: {  	[smem:$0x3FB1] =	sst s3  }
0xc: {  	[smem:$0x3FB2] =	sst s4  }
0xd: {  	[smem:$0x3FB3] =	sst s5  }
0xe: {  	[smem:$0x3FB4] =	sst s6  }
0xf: {  	[smem:$0x3FB5] =	sst s7  }
0x10: {  	[smem:$0x3FB6] =	sst s8  }
0x11: {  	[smem:$0x3FB7] =	sst s9;
	s0 =	simm.s32 @!p0 $0x0  }
0x12: {  	s1 =	sld [smem:$0x3F9D];
	s0 =	simm.s32 @p0 $0x1  }
0x13: {  	[smem:$0x3FB8] =	sst s0;
	s0 =	simm.s32 @!p1 $0x0  }
0x14: {  	s2 =	sld [smem:$0x3F9C];
	s0 =	simm.s32 @p1 $0x1  }
0x15: {  	[smem:$0x3FB9] =	sst s0;
	s0 =	simm.s32 @!p2 $0x0  }
0x16: {  	s3 =	sld [smem:$0x3FDB];
	s0 =	simm.s32 @p2 $0x1  }
0x17: {  	s4 =	simm.s32 $0x1BF5;
	[smem:$0x3FBB] =	sst s0  }
0x18: {  	s0 =	sld [smem:$0x3F9E];
	_ =	swait.ge [sflag:s4], $0x0  }
0x19: {  	s7 =	sld [smem:$0x3F9F]  }
0x1a: {  	s8 =	sadd.s32 $0xFFFFE003, lr  }
0x1b: {  	s9 =	sadd.s32 $0xFFFFFEF7, lr;
	s5 =	simm.s32 $0xFFFFFFFF;
	p2 =	slt.u32 s8, $0xFFFFF086  }
0x1c: {  	p1 =	slt.u32 s9, $0xF7A;
	s5 =	simm.s32 @!p2 $0x0  }
0x1d: {  	s5 =	simm.s32 @p1 $0x1;
	p0 =	seq.s32 s7, s2  }
0x1e: {  	s7 =	smul.u32 @!p0 $0xF7A, s2;
	p2 =	seq.s32 @!p0 s5, $0x0  }
0x1f: {  	s9 =	smul.u32 $0xF7A, s1;
	s8 =	simm.s32 @!p0 $0x1BF5;
	p2 =	por !p2, p0  }
0x20: {  	[sflag:s8] =	ssyncset.s32 @!p0 $0xFFFFF086;
	s6 =	sadd.s32 @!p0 s3, s7;
	s7 =	simm.s32 @!p0 $0x108  }
0x21: {  	s3 =	sadd.s32 s3, s9;
	s6 =	sadd.s32 @!p0 $0x88, s6;
	s7 =	simm.s32 @p2 $0x1082  }
0x22: {  	[simem:s7], [sflag:s8] =	dma.local @!p0 [hbm:s6], $0xF7A  }
0x23: {  	s9 =	sor.u32 $0xD0000000, s2;
	s6 =	simm.s32 $0x108;
	_ =	swait.ge @!p0 [sflag:s8], $0x0  }
0x24: {  	s3 =	sadd.s32 $0x88, s3;
	s6 =	simm.s32 @!p1 $0x1082;
	[sflag:s4] =	ssyncset.s32 $0xFFFFF086  }
0x25: {  	[simem:s6], [sflag:s4] =	dma.local [hbm:s3], $0xF7A  }
0x26: {  	[smem:$0x3F9F] =	sst s1;
	(tag) =	ssettag s2;
	_ =	strace s9  }
0x27: {  	s1 =	sld [smem:$0x3FAF]  }
0x28: {  	s2 =	sld [smem:$0x3FB0]  }
0x29: {  	s4 =	sld [smem:$0x3FB2]  }
0x2a: {  	p0 =	seq.s32 s5, $0x0;
	s5 =	sld [smem:$0x3FB3]  }
0x2b: {  	s6 =	sld [smem:$0x3FB4]  }
0x2c: {  	s7 =	sld [smem:$0x3FB5]  }
0x2d: {  	s3 =	simm.s32 $0x108;
	s8 =	sld [smem:$0x3FB6]  }
0x2e: {  	s3 =	simm.s32 @!p0 $0x1082;
	s9 =	sld [smem:$0x3FB7]  }
0x2f: {  	lr =	sadd.s32 s0, s3;
	s0 =	sld [smem:$0x3FAE]  }
0x30: {  	s3 =	sld [smem:$0x3FB1]  }
0x31: {  	[smem:$0x3FBA] =	sst s10  }
0x32: {  	s10 =	sld [smem:$0x3FB8];
	_ =	sdelay $0x3  }
0x33: {  	p0 =	seq.s32 s10, $0x1;
	s10 =	sld [smem:$0x3FBA];
	_ =	sdelay $0x3  }
0x34: {  	[smem:$0x3FBA] =	sst s10  }
0x35: {  	s10 =	sld [smem:$0x3FB9];
	_ =	sdelay $0x3  }
0x36: {  	p1 =	seq.s32 s10, $0x1;
	s10 =	sld [smem:$0x3FBA];
	_ =	sdelay $0x3  }
0x37: {  	[smem:$0x3FBA] =	sst s10  }
0x38: {  	s10 =	sld [smem:$0x3FBB]  }
0x39: {  	_ = 	snop;
	(pc) =	sbr.ind lr, $3  }
0x3a: {  	_ = 	snop  }
0x3b: {  	_ = 	snop  }
0x3c: {  	p2 =	seq.s32 s10, $0x1;
	s10 =	sld [smem:$0x3FBA]  }
0x3d: {  	_ =	shalt  }
0x3e: {  	_ =	shalt  }
0x3f: {  	_ =	shalt  }
0x40: {  	_ =	shalt  }
0x41: {  	_ =	shalt  }
0x42: {  	_ =	shalt  }
0x43: {  	_ =	shalt  }
0x44: {  	_ =	shalt  }
0x45: {  	_ =	shalt  }
0x46: {  	_ =	shalt  }
0x47: {  	_ =	shalt  }
0x48: {  	_ =	shalt  }
0x49: {  	_ =	shalt  }
0x4a: {  	_ =	shalt  }
0x4b: {  	_ =	shalt  }
0x4c: {  	_ =	shalt  }
0x4d: {  	_ =	shalt  }
0x4e: {  	_ =	shalt  }
0x4f: {  	_ =	shalt  }
0x50: {  	_ =	shalt  }
0x51: {  	_ =	shalt  }
0x52: {  	_ =	shalt  }
0x53: {  	_ =	shalt  }
0x54: {  	_ =	shalt  }
0x55: {  	_ =	shalt  }
0x56: {  	_ =	shalt  }
0x57: {  	_ =	shalt  }
0x58: {  	_ =	shalt  }
0x59: {  	_ =	shalt  }
0x5a: {  	_ =	shalt  }
0x5b: {  	_ =	shalt  }
0x5c: {  	_ =	shalt  }
0x5d: {  	_ =	shalt  }
0x5e: {  	_ =	shalt  }
0x5f: {  	_ =	shalt  }
0x60: {  	_ =	shalt  }
0x61: {  	_ =	shalt  }
0x62: {  	_ =	shalt  }
0x63: {  	_ =	shalt  }
0x64: {  	_ =	shalt  }
0x65: {  	_ =	shalt  }
0x66: {  	_ =	shalt  }
0x67: {  	_ =	shalt  }
0x68: {  	_ =	shalt  }
0x69: {  	_ =	shalt  }
0x6a: {  	_ =	shalt  }
0x6b: {  	_ =	shalt  }
0x6c: {  	_ =	shalt  }
0x6d: {  	_ =	shalt  }
0x6e: {  	_ =	shalt  }
0x6f: {  	_ =	shalt  }
0x70: {  	_ =	shalt  }
0x71: {  	_ =	shalt  }
0x72: {  	_ =	shalt  }
0x73: {  	_ =	shalt  }
0x74: {  	_ =	shalt  }
0x75: {  	_ =	shalt  }
0x76: {  	_ =	shalt  }
0x77: {  	_ =	shalt  }
0x78: {  	_ =	shalt  }
0x79: {  	_ =	shalt  }
0x7a: {  	_ =	shalt  }
0x7b: {  	_ =	shalt  }
0x7c: {  	_ =	shalt  }
0x7d: {  	_ =	shalt  }
0x7e: {  	_ =	shalt  }
0x7f: {  	_ =	shalt  }
0x80: {  	_ =	shalt  }
0x81: {  	_ =	shalt  }
0x82: {  	_ =	shalt  }
0x83: {  	_ =	shalt  }
0x84: {  	_ =	shalt  }
0x85: {  	_ =	shalt  }
0x86: {  	_ =	shalt  }
0x87: {  	_ =	shalt  }
.Lfunc_end0:
.L_simem_size_0:
called_computation_lowered:
.L_overlay_start_0:
0x88: {  	s2 =	sld [smem:$0x3FD9]  }
0x89: {  	s3 =	sld [smem:$0x3FFE];
	_ =	sdelay $0x1  }
0x8a: {  	s1 =	srdreg.scid  }
0x8b: {  	s0 =	sand.u32 $0x1, s1  }
0x8c: {  	s15 =	sshll.u32 s0, $0xA;
	s2 =	sadd.s32 s3, s2  }
0x8d: {  	s2 =	sadd.s32 s2, s15  }
0x8e: {  	[smem:$0x3FC6] =	sst s2  }
0x8f: {  	_ = 	snop  }
0x90: {  	s2 =	sld [smem:$0x3FD0];
	_ =	sdelay $0x2  }
0x91: {  	s4 =	simm.s32 $0xA;
	s5 =	simm.s32 $0x10;
	s16 =	sld [smem:$0x3FC8]  }
0x92: {  	[smem:s5], [sflag:s4] =	dma.local [hbm:s2], $0x1  }
0x93: {  	_ =	swait.eq [sflag:s4], $0x1  }
0x94: {  	[sflag:s4] =	ssyncset.done $0x0  }
0x95: {  	s17 =	sld [smem:$0x10];
	[sflag:s4] =	ssyncadd.s32 $0xFFFFFFFF  }
0x96: {  	s18 =	sld [smem:$0x11];
	(tm) =	ssettm $0x1  }
0x97: {  	s19 =	sld [smem:$0x3FFB];
	_ =	sdelay $0x3  }
0x98: {  	_ =	strace s19  }
0x99: {  	s5 =	sld [smem:$0x3FFC];
	_ =	sdelay $0x3  }
0x9a: {  	_ =	strace s5  }
0x9b: {  	s5 =	sld [smem:$0x3FFD];
	_ =	sdelay $0x3  }
0x9c: {  	_ =	strace s5  }
0x9d: {  	_ =	strace $0x8FFFFFFF  }
0x9e: {  	s20 =	sld [smem:$0x3FDB];
	_ =	sdelay $0x1  }
0x9f: {  	s6 =	simm.s32 $_scs_section_size  }
0xa0: {  	s7 =	simm.s32 $_size__tile_overlayer_lowered;
	s8 =	simm.s32 $_tile_overlayer_lowered  }
0xa1: {  	s23 =	simm.s32 $0x1BFF;
	s22 =	sshll.u32 s8, $0x1;
	s5 =	sadd.s32 s6, s20  }
0xa2: {  	s9 =	simm.s32 $0x0;
	s21 =	sshll.u32 s7, $0x1;
	s7 =	sadd.s32 s22, s5  }
0xa3: {  	[timem:s9], [sflag:s23] =	dma.local [hbm:s7], s21  }
0xa4: {  	_ =	swait.ge [sflag:s23], s21  }
0xa5: {  	s6 =	ssub.s32 $0x0, s21;
	[sflag:s23] =	ssyncset.done $0x0  }
0xa6: {  	[sflag:s23] =	ssyncadd.s32 s6;
	_ =	sdelay $0x1  }
0xa7: {  	s24 =	simm.s32 $0x1B8B  }
0xa8: {  	_ =	swait.ge [sflag:s24], $0x1  }
0xa9: {  	[sflag:s24] =	ssyncset.done $0x0  }
0xaa: {  	s25 =	simm.s32 $0x1B8E;
	[sflag:s24] =	ssyncadd.s32 $0xFFFFFFFF  }
0xab: {  	s26 =	simm.s32 $execute0_lowered;
	[smem:$0x3FD2] =	sst s25  }
0xac: {  	s6 =	sshll.u32 s26, $0x1;
	_ =	strace $0x80000046;
	[dreg:$0x1] =	wrdreg $0xFFFFFFFF  }
0xad: {  	s28 =	simm.s32 $_size_execute0_lowered;
	s5 =	sadd.s32 s5, s6;
	[dreg:$0x0] =	wrdreg $0x0  }
0xae: {  	s6 =	sshll.u32 s28, $0x1;
	[dreg:$0x2] =	wrdreg s5  }
0xaf: {  	[dreg:$0x3] =	wrdreg s6  }
0xb0: {  	[dreg:$0x4] =	wrdreg $0xC0  }
0xb1: {  	_ =	task [dreg:s9], $0x5FFFF  }
0xb2: {  	[dreg:$0x1] =	wrdreg $0xFFFFFFFF  }
0xb3: {  	[dreg:$0x0] =	wrdreg $0x60  }
0xb4: {  	[dreg:$0x2] =	wrdreg s16  }
0xb5: {  	[dreg:$0x3] =	wrdreg s18  }
0xb6: {  	[dreg:$0x4] =	wrdreg s17  }
0xb7: {  	[dreg:$0x5] =	wrdreg $0x9  }
0xb8: {  	_ =	task.clear_ibuf [dreg:s9], $0x6FFFF;
	_ =	strace $0x90000046  }
0xb9: {  	s29 =	simm.s32 $0x9;
	_ =	strace $0x80000048  }
0xba: {  	_ =	swait.ge [sflag:s29], $0x1  }
0xbb: {  	[sflag:s29] =	ssyncadd.s32 $0xFFFFFFFF  }
0xbc: {  	_ =	strace $0x90000048  }
0xbd: {  	_ =	sfence  }
0xbe: {  	s30 =	sld [smem:$0x0];
	_ =	sdelay $0x2  }
0xbf: {  	s31 =	sshll.u32 s1, $0xD;
	s1 =	sshrl.u32 s1, $0x2  }
0xc0: {  	s3 =	sand.u32 $0x4000, s31;
	s1 =	sadd.s32 s1, s30  }
0xc1: {  	s0 =	sor.u32 s3, s0;
	s1 =	sshll.u32 s1, $0x11  }
0xc2: {  	s0 =	sor.u32 s1, s0  }
0xc3: {  	s0 =	sadd.s32 $0x8F2B, s0  }
0xc4: {  	[sflag:s0] =	ssyncadd.remote.s32 $0x1  }
0xc5: {  	_ =	sfence.sel $0xFFFF  }
0xc6: {  	[dreg:$0x0] =	wrdreg $0xFFFFFFFF;
	(pc) =	sbr.abs _section_cstart, $3  }
0xc7: {  	[dreg:$0x1] =	wrdreg $0xFFFFFFFF  }
0xc8: {  	_ =	task.clear_ibuf [dreg:s9], $0x2FFFF;
	_ =	strace $0x9FFFFFFF  }
0xc9: {  	(tm) =	ssettm $0x7FFFFFFF  }
tec
execute0_lowered:
.L_overlay_start_1:
0x0: {  	(tag) =	ssettag $0x1  }
0x1: {  	s1 =	rddreg [dreg:$0x0]  }
0x2: {  	s4 =	rddreg [dreg:$0x1]  }
0x3: {  	s5 =	rddreg [dreg:$0x2]  }
0x4: {  	s0 =	rddreg [dreg:$0x3];
	s6 =	srdreg.scid  }
0x5: {  	s3 =	simm.s32 $0x0;
	s2 =	stileid.u32;
	s10 =	simm.s32 $0x880  }
0x6: {  	s11 =	simm.s32 $0x1080;
	s12 =	simm.s32 $0x1880;
	s13 =	simm.s32 $0x2080  }
0x7: {  	s14 =	simm.s32 $0x2880;
	s15 =	simm.s32 $0x3080;
	s16 =	simm.s32 $0x3880  }
0x8: {  	s17 =	simm.s32 $0x4080;
	s18 =	simm.s32 $0x4880;
	s19 =	simm.s32 $0x5080  }
0x9: {  	s20 =	simm.s32 $0x5880;
	s21 =	simm.s32 $0x6080;
	s22 =	simm.s32 $0x6880  }
0xa: {  	s23 =	simm.s32 $0x7080;
	s24 =	simm.s32 $0x7880;
	s25 =	simm.s32 $0x1  }
0xb: {  	s26 =	simm.s32 $0x2;
	s6 =	sand.u32 $0x1, s6;
	[smem:$0x7FF] =	sst s3  }
0xc: {  	s7 =	sshll.u32 s2, $0x8;
	s8 =	sshll.u32 s6, $0x7;
	s6 =	ssub.s32 $0x2, s6  }
0xd: {  	_ =	strace $0x80000047;
	s7 =	sor.u32 s8, s7;
	s31 =	sshrl.u32 s6, $0x1  }
0xe: {  	v2 =	vlaneseq.u32;
	s9 =	sshrl.u32 s7, $0x3;
	s7 =	sshll.u32 s7, $0x5;
	s8 =	ssub.s32 s6, s31  }
0xf: {  	vm0 =	vmmov $0xffff;
	v1 =	vshrl.u32 v2, $0x3;
	s4 =	sadd.s32 s4, s9;
	s5 =	sadd.s32 s5, s7;
	s7 =	smax.u32 s8, $0x1  }
0x10: {  	v0 =	vand.u32 $0x7, v2;
	v2 =	vor.u32 $0x8, v2;
	v1 =	vmul.u32 $0x8, v1;
	s8 =	simm.s32 $0x3;
	s9 =	simm.s32 $0x80;
	s6 =	sadd.s32 $0x800, s5  }
.LBB2_1:
0x11: {  	[tilespmem:s3], [sflag:$0x3] =	stream.linear.gather [hbm4b:s4+s3], $0x80, $0x38;
	[tilespmem:$0x8080] =	vst v63  }
0x12: {  	_ =	swait.ge [sflag:s8], $0x80  }
0x13: {  	[sflag:s8] =	ssyncset.done $0x0  }
0x14: {  	[sflag:s8] =	ssyncadd.s32 $0xFFFFFF80  }
0x15: {  	v3 =	vld [tilespmem:$0x0];
	_ =	sdelay $0x4  }
0x16: {  	v4 =	vshll.u32 v3, $0x1  }
0x17: {  	v3 =	vand.u32 $0x7, v3;
	v4 =	vand.u32 $0xFFFFFFF0, v4  }
0x18: {  	v3 =	vor.u32 v3, v4  }
0x19: {  	v4 =	vperm.xlane v3, v0;
	_ =	sdelay $0x1  }
0x1a: {  	v3 =	vperm.xlane v3, v2;
	v4 =	vadd.s32 v1, v4;
	_ =	sdelay $0x1  }
0x1b: {  	v3 =	vadd.s32 v1, v3;
	_ =	sdelay $0x2  }
0x1c: {  	[tilespmem:s9], [sflag:$0x1] =	stream.indirect_vreg.gather [hbm4b:s1+s3], $0x80, v4, vm0, $0xb8;
	[tilespmem:$0x8080] =	vst v63  }
0x1d: {  	_ = 	snop  }
0x1e: {  	[tilespmem:s10], [sflag:$0x1] =	stream.indirect_vreg.gather [hbm4b:s1+s3], $0x80, v3, vm0, $0xb8;
	[tilespmem:$0x8080] =	vst v63  }
0x1f: {  	v3 =	vld [tilespmem:$0x10];
	_ =	sdelay $0x4  }
0x20: {  	v57 =	vshll.u32 v3, $0x1  }
0x21: {  	v3 =	vand.u32 $0x7, v3;
	v4 =	vand.u32 $0xFFFFFFF0, v57  }
0x22: {  	v3 =	vor.u32 v3, v4  }
0x23: {  	v4 =	vperm.xlane v3, v0;
	_ =	sdelay $0x1  }
0x24: {  	v3 =	vperm.xlane v3, v2;
	v4 =	vadd.s32 v1, v4;
	_ =	sdelay $0x1  }
0x25: {  	v3 =	vadd.s32 v1, v3;
	_ =	sdelay $0x2  }
0x26: {  	[tilespmem:s11], [sflag:$0x1] =	stream.indirect_vreg.gather [hbm4b:s1+s3], $0x80, v4, vm0, $0xb8;
	[tilespmem:$0x8080] =	vst v63  }
0x27: {  	_ = 	snop  }
0x28: {  	[tilespmem:s12], [sflag:$0x1] =	stream.indirect_vreg.gather [hbm4b:s1+s3], $0x80, v3, vm0, $0xb8;
	[tilespmem:$0x8080] =	vst v63  }
0x29: {  	v3 =	vld [tilespmem:$0x20];
	_ =	sdelay $0x4  }
0x2a: {  	v58 =	vshll.u32 v3, $0x1  }
0x2b: {  	v3 =	vand.u32 $0x7, v3;
	v4 =	vand.u32 $0xFFFFFFF0, v58  }
0x2c: {  	v3 =	vor.u32 v3, v4  }
0x2d: {  	v4 =	vperm.xlane v3, v0;
	_ =	sdelay $0x1  }
0x2e: {  	v3 =	vperm.xlane v3, v2;
	v4 =	vadd.s32 v1, v4;
	_ =	sdelay $0x1  }
0x2f: {  	v3 =	vadd.s32 v1, v3;
	_ =	sdelay $0x2  }
0x30: {  	[tilespmem:s13], [sflag:$0x1] =	stream.indirect_vreg.gather [hbm4b:s1+s3], $0x80, v4, vm0, $0xb8;
	[tilespmem:$0x8080] =	vst v63  }
0x31: {  	_ = 	snop  }
0x32: {  	[tilespmem:s14], [sflag:$0x1] =	stream.indirect_vreg.gather [hbm4b:s1+s3], $0x80, v3, vm0, $0xb8;
	[tilespmem:$0x8080] =	vst v63  }
0x33: {  	v3 =	vld [tilespmem:$0x30];
	_ =	sdelay $0x4  }
0x34: {  	v59 =	vshll.u32 v3, $0x1  }
0x35: {  	v3 =	vand.u32 $0x7, v3;
	v4 =	vand.u32 $0xFFFFFFF0, v59  }
0x36: {  	v3 =	vor.u32 v3, v4  }
0x37: {  	v4 =	vperm.xlane v3, v0;
	_ =	sdelay $0x1  }
0x38: {  	v3 =	vperm.xlane v3, v2;
	v4 =	vadd.s32 v1, v4;
	_ =	sdelay $0x1  }
0x39: {  	v3 =	vadd.s32 v1, v3;
	_ =	sdelay $0x2  }
0x3a: {  	[tilespmem:s15], [sflag:$0x1] =	stream.indirect_vreg.gather [hbm4b:s1+s3], $0x80, v4, vm0, $0xb8;
	[tilespmem:$0x8080] =	vst v63  }
0x3b: {  	_ = 	snop  }
0x3c: {  	[tilespmem:s16], [sflag:$0x1] =	stream.indirect_vreg.gather [hbm4b:s1+s3], $0x80, v3, vm0, $0xb8;
	[tilespmem:$0x8080] =	vst v63  }
0x3d: {  	v3 =	vld [tilespmem:$0x40];
	_ =	sdelay $0x4  }
0x3e: {  	v60 =	vshll.u32 v3, $0x1  }
0x3f: {  	v3 =	vand.u32 $0x7, v3;
	v4 =	vand.u32 $0xFFFFFFF0, v60  }
0x40: {  	v3 =	vor.u32 v3, v4  }
0x41: {  	v4 =	vperm.xlane v3, v0;
	_ =	sdelay $0x1  }
0x42: {  	v3 =	vperm.xlane v3, v2;
	v4 =	vadd.s32 v1, v4;
	_ =	sdelay $0x1  }
0x43: {  	v3 =	vadd.s32 v1, v3;
	_ =	sdelay $0x2  }
0x44: {  	[tilespmem:s17], [sflag:$0x2] =	stream.indirect_vreg.gather [hbm4b:s1+s3], $0x80, v4, vm0, $0xb8;
	[tilespmem:$0x8080] =	vst v63  }
0x45: {  	_ = 	snop  }
0x46: {  	[tilespmem:s18], [sflag:$0x2] =	stream.indirect_vreg.gather [hbm4b:s1+s3], $0x80, v3, vm0, $0xb8;
	[tilespmem:$0x8080] =	vst v63  }
0x47: {  	v3 =	vld [tilespmem:$0x50];
	_ =	sdelay $0x4  }
0x48: {  	v61 =	vshll.u32 v3, $0x1  }
0x49: {  	v3 =	vand.u32 $0x7, v3;
	v4 =	vand.u32 $0xFFFFFFF0, v61  }
0x4a: {  	v3 =	vor.u32 v3, v4  }
0x4b: {  	v4 =	vperm.xlane v3, v0;
	_ =	sdelay $0x1  }
0x4c: {  	v3 =	vperm.xlane v3, v2;
	v4 =	vadd.s32 v1, v4;
	_ =	sdelay $0x1  }
0x4d: {  	v3 =	vadd.s32 v1, v3;
	_ =	sdelay $0x2  }
0x4e: {  	[tilespmem:s19], [sflag:$0x2] =	stream.indirect_vreg.gather [hbm4b:s1+s3], $0x80, v4, vm0, $0xb8;
	[tilespmem:$0x8080] =	vst v63  }
0x4f: {  	_ = 	snop  }
0x50: {  	[tilespmem:s20], [sflag:$0x2] =	stream.indirect_vreg.gather [hbm4b:s1+s3], $0x80, v3, vm0, $0xb8;
	[tilespmem:$0x8080] =	vst v63  }
0x51: {  	v3 =	vld [tilespmem:$0x60];
	_ =	sdelay $0x4  }
0x52: {  	v62 =	vshll.u32 v3, $0x1  }
0x53: {  	v3 =	vand.u32 $0x7, v3;
	v4 =	vand.u32 $0xFFFFFFF0, v62  }
0x54: {  	v3 =	vor.u32 v3, v4  }
0x55: {  	v4 =	vperm.xlane v3, v0;
	_ =	sdelay $0x1  }
0x56: {  	v3 =	vperm.xlane v3, v2;
	v4 =	vadd.s32 v1, v4;
	_ =	sdelay $0x1  }
0x57: {  	v3 =	vadd.s32 v1, v3;
	_ =	sdelay $0x2  }
0x58: {  	[tilespmem:s21], [sflag:$0x2] =	stream.indirect_vreg.gather [hbm4b:s1+s3], $0x80, v4, vm0, $0xb8;
	[tilespmem:$0x8080] =	vst v63  }
0x59: {  	_ = 	snop  }
0x5a: {  	[tilespmem:s22], [sflag:$0x2] =	stream.indirect_vreg.gather [hbm4b:s1+s3], $0x80, v3, vm0, $0xb8;
	[tilespmem:$0x8080] =	vst v63  }
0x5b: {  	v3 =	vld [tilespmem:$0x70];
	_ =	sdelay $0x4  }
0x5c: {  	v63 =	vshll.u32 v3, $0x1  }
0x5d: {  	v3 =	vand.u32 $0x7, v3;
	v4 =	vand.u32 $0xFFFFFFF0, v63  }
0x5e: {  	v3 =	vor.u32 v3, v4  }
0x5f: {  	v4 =	vperm.xlane v3, v0;
	_ =	sdelay $0x1  }
0x60: {  	v3 =	vperm.xlane v3, v2;
	v4 =	vadd.s32 v1, v4;
	_ =	sdelay $0x1  }
0x61: {  	v3 =	vadd.s32 v1, v3;
	_ =	sdelay $0x2  }
0x62: {  	[tilespmem:s23], [sflag:$0x2] =	stream.indirect_vreg.gather [hbm4b:s1+s3], $0x80, v4, vm0, $0xb8;
	[tilespmem:$0x8080] =	vst v63  }
0x63: {  	_ = 	snop  }
0x64: {  	[tilespmem:s24], [sflag:$0x2] =	stream.indirect_vreg.gather [hbm4b:s1+s3], $0x80, v3, vm0, $0xb8;
	[tilespmem:$0x8080] =	vst v63  }
0x65: {  	_ =	swait.ge [sflag:s25], $0x4000  }
0x66: {  	[sflag:s25] =	ssyncset.done $0x0  }
0x67: {  	[sflag:s25] =	ssyncadd.s32 $0xFFFFC000  }
0x68: {  	[hbm4b:s5+s3] =	stream.linear.scatter [tilespmem:s9], [sflag:$0x3], $0x4000, $0x38;
	[tilespmem:$0x8080] =	vst v63  }
0x69: {  	_ =	swait.ge [sflag:s8], $0x4000  }
0x6a: {  	[sflag:s8] =	ssyncset.done $0x0  }
0x6b: {  	[sflag:s8] =	ssyncadd.s32 $0xFFFFC000  }
0x6c: {  	_ =	swait.ge [sflag:s26], $0x4000  }
0x6d: {  	p0 =	sne.s32 s7, $0x1;
	[sflag:s26] =	ssyncset.done $0x0  }
.Ltmp0:
0x6e: {  	[sflag:s26] =	ssyncadd.s32 $0xFFFFC000;
	(pc) =	sbr.rel @p0 .LBB2_1-.Ltmp0, $4  }
0x6f: {  	[hbm4b:s6+s3] =	stream.linear.scatter [tilespmem:s17], [sflag:$0x3], $0x4000, $0x38;
	[tilespmem:$0x8080] =	vst v63  }
0x70: {  	_ =	swait.ge [sflag:s8], $0x4000  }
0x71: {  	[sflag:s8] =	ssyncset.done $0x0  }
0x72: {  	s7 =	sadd.s32 $0xFFFFFFFF, s7;
	[sflag:s8] =	ssyncadd.s32 $0xFFFFC000  }
0x73: {  	_ =	sfence.sel $0x180000  }
0x74: {  	[bflag:$0x0] =	sbarrier.arrive $0xFFFF  }
0x75: {  	p0 =	sne.s32 s2, $0x0;
	_ =	strace $0x90000047  }
0x76: {  	s0 =	sadd.s32 @!p0 $0x100000, s0;
	[bflag:$0x2] =	sbarrier.arrive $0xFFFF  }
0x77: {  	[sflag:s0] =	ssyncadd.tile.s32 @!p0 $0x1;
	_ =	shalt  }
.Lfunc_end2:
_tile_overlayer_lowered:
.L_overlay_start_2:
0x78: {  	(tag) =	ssettag $0x2  }
0x79: {  	s0 =	rddreg [dreg:$0x0];
	s2 =	stileid.u32  }
0x7a: {  	s1 =	rddreg [dreg:$0x1];
	p0 =	sne.s32 s2, $0x0  }
0x7b: {  	s3 =	rddreg [dreg:$0x2];
	[bflag:$0x3] =	sbarrier.arrive $0xFFFF;
	s2 =	simm.s32 @!p0 $0x1C03  }
0x7c: {  	[timem:s3], [sflag:s2] =	dma.local @!p0 [hbm:s0], s1  }
0x7d: {  	s0 =	simm.s32 @!p0 $0x3  }
0x7e: {  	_ =	swait.ge @!p0 [sflag:s0], s1  }
0x7f: {  	s1 =	ssub.s32 @!p0 $0x0, s1;
	[sflag:s0] =	ssyncset.done @!p0 $0x0  }
0x80: {  	[sflag:s0] =	ssyncadd.s32 @!p0 s1  }
0x81: {  	[bflag:$0x3] =	sbarrier.arrive $0xFFFF  }
0x82: {  	_ =	shalt  }

</sc_bundles>
